<compile_context>
chip_gen: v7x
topology: tpu7x:2x2x1
jax: 0.10.2.dev20260603
libtpu: 0.0.44.dev20260713+nightly
codegen_flags: <defaults>
</compile_context>

<pallas_src>
import functools

import jax
import jax.numpy as jnp
from jax import lax
from jax.experimental import pallas as pl
from jax.experimental.pallas import tpu as pltpu
from jax.experimental.pallas import tpu_sc as plsc

N_NODES = 10000
N_EDGES = 320000
NUM_HIDDEN = 128
NUM_E = 16
NUM_HEADS = 4
HEAD_DIM = NUM_HIDDEN // NUM_HEADS
ATTN_SCALE = HEAD_DIM ** (-0.5)

NC = 2
NS = 16
NW = NC * NS
C = 128
NCH = 80
EW = NCH * C
EP = NW * EW
NP = 10240
RPT = NP // NS

EPF = EP * NUM_HEADS // 128
EWF = EPF // NW
NPF = NP * NUM_HEADS // 128
NRED = 10

_sc_mesh = plsc.VectorSubcoreMesh(core_axis_name="c", subcore_axis_name="s")


def _sc_gather_body(src_hbm, dst_hbm, ta_hbm, tc_hbm, ga_hbm, gc_hbm,
                    src_v, dst_v, buf_a, sem_a):
    cid = lax.axis_index("c")
    sid = lax.axis_index("s")
    wid = sid * NC + cid
    base = wid * EW
    pltpu.sync_copy(src_hbm.at[wid], src_v)
    pltpu.sync_copy(dst_hbm.at[wid], dst_v)

    def run_table(idx_v, tab, out):
        def body(g, carry):
            cps = [pltpu.async_copy(tab.at[idx_v.at[g * 4 + h]],
                                    buf_a.at[pl.ds(h * C, C)], sem_a)
                   for h in range(4)]
            for cp in cps:
                cp.wait()
            pltpu.sync_copy(buf_a, out.at[pl.ds(base + g * 4 * C, 4 * C)])
            return carry

        lax.fori_loop(0, 20, body, 0)

    run_table(src_v, ta_hbm, ga_hbm)
    run_table(dst_v, tc_hbm, gc_hbm)


_sc_gather = functools.partial(
    pl.kernel,
    out_type=(jax.ShapeDtypeStruct((EP, NUM_HIDDEN), jnp.float32),
              jax.ShapeDtypeStruct((EP, NUM_HIDDEN), jnp.float32)),
    mesh=_sc_mesh,
    scratch_types=[
        pltpu.VMEM((NCH, C), jnp.int32),
        pltpu.VMEM((NCH, C), jnp.int32),
        pltpu.VMEM((4 * C, NUM_HIDDEN), jnp.float32),
        pltpu.SemaphoreType.DMA,
    ],
)(_sc_gather_body)


def _sc_scatter_u_body(idx_hbm, u_hbm, z128_hbm, hv_out,
                       idx_v, buf_a, buf_b, hv_sh, sem_a, sem_b):
    cid = lax.axis_index("c")
    sid = lax.axis_index("s")
    wid = sid * NC + cid
    base = wid * EW
    astart = sid * RPT
    pltpu.sync_copy(z128_hbm, hv_sh.at[pl.ds(astart, RPT)])
    pltpu.sync_copy(idx_hbm.at[wid], idx_v)
    plsc.subcore_barrier()

    def body(k, carry):
        pltpu.async_copy(u_hbm.at[pl.ds(base + k * 2 * C, C)],
                         buf_a, sem_a).wait()
        pltpu.sync_copy(buf_a, hv_sh.at[idx_v.at[2 * k]], add=True)
        pltpu.async_copy(u_hbm.at[pl.ds(base + (2 * k + 1) * C, C)],
                         buf_b, sem_b).wait()
        pltpu.sync_copy(buf_b, hv_sh.at[idx_v.at[2 * k + 1]], add=True)
        return carry

    lax.fori_loop(0, NCH // 2, body, 0)
    plsc.subcore_barrier()
    pltpu.sync_copy(hv_sh.at[pl.ds(astart, RPT)],
                    hv_out.at[cid, pl.ds(astart, RPT)])


_sc_scatter_u = functools.partial(
    pl.kernel,
    out_type=jax.ShapeDtypeStruct((NC, NP, NUM_HIDDEN), jnp.float32),
    mesh=_sc_mesh,
    scratch_types=[
        pltpu.VMEM((NCH, C), jnp.int32),
        pltpu.VMEM((C, NUM_HIDDEN), jnp.float32),
        pltpu.VMEM((C, NUM_HIDDEN), jnp.float32),
        pltpu.VMEM_SHARED((NP, NUM_HIDDEN), jnp.float32),
        pltpu.SemaphoreType.DMA,
        pltpu.SemaphoreType.DMA,
    ],
)(_sc_scatter_u_body)


_BN = 1024


def _nodeproj_body(hv_ref, b1a_ref, b1c_ref, pa_ref, pc_ref):
    x = hv_ref[...]
    pa_ref[...] = jnp.dot(x, b1a_ref[...], preferred_element_type=jnp.float32)
    pc_ref[...] = jnp.dot(x, b1c_ref[...], preferred_element_type=jnp.float32)


def _node_proj(h_Vp, b1a, b1c):
    nb = NP // _BN
    return pl.pallas_call(
        _nodeproj_body,
        grid=(nb,),
        in_specs=[
            pl.BlockSpec((_BN, NUM_HIDDEN), lambda i: (i, 0)),
            pl.BlockSpec((NUM_HIDDEN, NUM_HIDDEN), lambda i: (0, 0)),
            pl.BlockSpec((NUM_HIDDEN, NUM_HIDDEN), lambda i: (0, 0)),
        ],
        out_specs=[
            pl.BlockSpec((_BN, NUM_HIDDEN), lambda i: (i, 0)),
            pl.BlockSpec((_BN, NUM_HIDDEN), lambda i: (i, 0)),
        ],
        out_shape=[
            jax.ShapeDtypeStruct((NP, NUM_HIDDEN), jnp.float32),
            jax.ShapeDtypeStruct((NP, NUM_HIDDEN), jnp.float32),
        ],
        compiler_params=pltpu.CompilerParams(
            dimension_semantics=("parallel",)),
    )(h_Vp, b1a, b1c)


_BE = 2048


def _edge_body(ga_ref, gc_ref, he_ref, b1e_ref, b1b_ref, b2_ref, b2b_ref,
               b3_ref, b3b_ref, wv_ref, wvb_ref, r_ref, ex_ref, u_ref):
    he = he_ref[...]
    w1 = jnp.maximum(
        ga_ref[...] + gc_ref[...]
        + jnp.dot(he, b1e_ref[...], preferred_element_type=jnp.float32)
        + b1b_ref[...], 0.0)
    w2 = jnp.maximum(
        jnp.dot(w1, b2_ref[...], preferred_element_type=jnp.float32)
        + b2b_ref[...], 0.0)
    lg = (jnp.dot(w2, b3_ref[...], preferred_element_type=jnp.float32)
          + b3b_ref[...]) * ATTN_SCALE
    ex4 = jnp.exp(lg[:, :NUM_HEADS])
    x = (jnp.dot(he, wv_ref[...], preferred_element_type=jnp.float32)
         + wvb_ref[...])
    v = x * 0.5 * (1.0 + lax.erf(x * (2.0 ** -0.5)))
    exb = jnp.dot(ex4, r_ref[...], preferred_element_type=jnp.float32)
    ex_ref[...] = exb
    u_ref[...] = v * exb


def _edge_stage(ga, gc, h_Ep, b1e, b1b, B2_w, b2b, b3p, b3bp, W_V_w, wvb, R):
    nb = EP // _BE
    full = lambda i: (0, 0)
    return pl.pallas_call(
        _edge_body,
        grid=(nb,),
        in_specs=[
            pl.BlockSpec((_BE, NUM_HIDDEN), lambda i: (i, 0)),
            pl.BlockSpec((_BE, NUM_HIDDEN), lambda i: (i, 0)),
            pl.BlockSpec((_BE, NUM_E), lambda i: (i, 0)),
            pl.BlockSpec((NUM_E, NUM_HIDDEN), full),
            pl.BlockSpec((1, NUM_HIDDEN), full),
            pl.BlockSpec((NUM_HIDDEN, NUM_HIDDEN), full),
            pl.BlockSpec((1, NUM_HIDDEN), full),
            pl.BlockSpec((NUM_HIDDEN, NUM_HIDDEN), full),
            pl.BlockSpec((1, NUM_HIDDEN), full),
            pl.BlockSpec((NUM_E, NUM_HIDDEN), full),
            pl.BlockSpec((1, NUM_HIDDEN), full),
            pl.BlockSpec((NUM_HEADS, NUM_HIDDEN), full),
        ],
        out_specs=[
            pl.BlockSpec((_BE, NUM_HIDDEN), lambda i: (i, 0)),
            pl.BlockSpec((_BE, NUM_HIDDEN), lambda i: (i, 0)),
        ],
        out_shape=[
            jax.ShapeDtypeStruct((EP, NUM_HIDDEN), jnp.float32),
            jax.ShapeDtypeStruct((EP, NUM_HIDDEN), jnp.float32),
        ],
        compiler_params=pltpu.CompilerParams(
            dimension_semantics=("parallel",)),
    )(ga, gc, h_Ep, b1e, b1b, B2_w, b2b, b3p, b3bp, W_V_w, wvb, R)


_BO = 1000


def _out_body(n0_ref, n1_ref, s0_ref, s1_ref, hv_ref, wo_ref, gw_ref, gb_ref,
              out_ref):
    num = n0_ref[0] + n1_ref[0]
    den = s0_ref[0] + s1_ref[0] + 1e-16
    hv = num / den
    gate = jax.nn.sigmoid(
        jnp.dot(hv, gw_ref[...], preferred_element_type=jnp.float32)
        + gb_ref[...])
    out_ref[...] = hv_ref[...] + jnp.dot(
        hv, wo_ref[...], preferred_element_type=jnp.float32) * gate


def _node_out(hvn, ssn, h_V, W_O_w, gate_w, gb):
    nb = N_NODES // _BO
    full = lambda i: (0, 0)
    return pl.pallas_call(
        _out_body,
        grid=(nb,),
        in_specs=[
            pl.BlockSpec((1, _BO, NUM_HIDDEN), lambda i: (0, i, 0)),
            pl.BlockSpec((1, _BO, NUM_HIDDEN), lambda i: (1, i, 0)),
            pl.BlockSpec((1, _BO, NUM_HIDDEN), lambda i: (0, i, 0)),
            pl.BlockSpec((1, _BO, NUM_HIDDEN), lambda i: (1, i, 0)),
            pl.BlockSpec((_BO, NUM_HIDDEN), lambda i: (i, 0)),
            pl.BlockSpec((NUM_HIDDEN, NUM_HIDDEN), full),
            pl.BlockSpec((NUM_HIDDEN, NUM_HIDDEN), full),
            pl.BlockSpec((1, NUM_HIDDEN), full),
        ],
        out_specs=pl.BlockSpec((_BO, NUM_HIDDEN), lambda i: (i, 0)),
        out_shape=jax.ShapeDtypeStruct((N_NODES, NUM_HIDDEN), jnp.float32),
        compiler_params=pltpu.CompilerParams(
            dimension_semantics=("parallel",)),
    )(hvn, hvn, ssn, ssn, h_V, W_O_w, gate_w, gb)


def kernel(h_V, h_E, edge_idx, W_V_w, W_V_b, B1_w, B1_b, B2_w, B2_b,
           B3_w, B3_b, W_O_w, gate_w, gate_b):
    f32 = jnp.float32
    npad = EP - N_EDGES
    trash = (N_NODES + jnp.arange(npad, dtype=jnp.int32) % (NP - N_NODES))
    src = jnp.concatenate([edge_idx[0].astype(jnp.int32), trash]
                          ).reshape(NW, NCH, C)
    dst = jnp.concatenate([edge_idx[1].astype(jnp.int32), trash]
                          ).reshape(NW, NCH, C)
    h_Vp = jnp.pad(h_V, ((0, NP - N_NODES), (0, 0)))
    h_Ep = jnp.pad(h_E, ((0, npad), (0, 0)))

    b1a = B1_w[:NUM_HIDDEN]
    b1e = B1_w[NUM_HIDDEN:NUM_HIDDEN + NUM_E]
    b1c = B1_w[NUM_HIDDEN + NUM_E:]
    b1b = B1_b.reshape(1, NUM_HIDDEN)
    b2b = B2_b.reshape(1, NUM_HIDDEN)
    b3p = jnp.zeros((NUM_HIDDEN, NUM_HIDDEN), f32).at[:, :NUM_HEADS].set(B3_w)
    b3bp = jnp.zeros((1, NUM_HIDDEN), f32).at[0, :NUM_HEADS].set(B3_b)
    wvb = W_V_b.reshape(1, NUM_HIDDEN)
    gb = gate_b.reshape(1, NUM_HIDDEN)
    cols = jnp.arange(NUM_HIDDEN, dtype=jnp.int32) // HEAD_DIM
    R = (cols[None, :] == jnp.arange(NUM_HEADS, dtype=jnp.int32)[:, None]
         ).astype(f32)
    z128 = jnp.zeros((RPT, NUM_HIDDEN), f32)

    pa, pc = _node_proj(h_Vp, b1a, b1c)
    ga, gc = _sc_gather(src, dst, pa, pc)
    ex, u = _edge_stage(ga, gc, h_Ep, b1e, b1b, B2_w, b2b, b3p, b3bp,
                        W_V_w, wvb, R)
    hvn = _sc_scatter_u(src, u, z128)
    ssn = _sc_scatter_u(src, ex, z128)
    return _node_out(hvn, ssn, h_V, W_O_w, gate_w, gb)

# --- scband reference (transcript-rebuilt; emitter-appended) ---
"""Pipeline reference for scband-pi-fold-attn-58548994179275 (READ-ONLY COPY).

The authoritative reference and input builder live on the scoring server;
editing this copy changes nothing except your own understanding.
"""

import jax, jax.numpy as jnp
import numpy as np

NUM_HIDDEN = 128
NUM_V = 128
NUM_E = 16
NUM_HEADS = 4
HEAD_DIM = NUM_HIDDEN // NUM_HEADS
N_NODES = 10000
N_EDGES = 320000


def setup_inputs(seed: int = 0) -> dict:
    key = jax.random.key(seed)
    ks = jax.random.split(key, 16)
    h_V = jax.random.normal(ks[0], (N_NODES, NUM_V), dtype=jnp.float32)
    h_E = jax.random.normal(ks[1], (N_EDGES, NUM_E), dtype=jnp.float32)
    edge_idx = jax.random.randint(ks[2], (2, N_EDGES), 0, N_NODES, dtype=jnp.int64)
    def lin(k, fan_in, fan_out):
        bound = 1.0 / np.sqrt(fan_in)
        kw, kb = jax.random.split(k)
        W = jax.random.uniform(kw, (fan_in, fan_out), minval=-bound, maxval=bound, dtype=jnp.float32)
        b = jax.random.uniform(kb, (fan_out,), minval=-bound, maxval=bound, dtype=jnp.float32)
        return W, b
    W_V_w, W_V_b = lin(ks[3], NUM_E, NUM_HIDDEN)
    B1_w, B1_b = lin(ks[4], 2 * NUM_V + NUM_E, NUM_HIDDEN)
    B2_w, B2_b = lin(ks[5], NUM_HIDDEN, NUM_HIDDEN)
    B3_w, B3_b = lin(ks[6], NUM_HIDDEN, NUM_HEADS)
    W_O_w, _ = lin(ks[7], NUM_HIDDEN, NUM_V)
    gate_w, gate_b = lin(ks[8], NUM_HIDDEN, NUM_V)
    return {"h_V": h_V, "h_E": h_E, "edge_idx": edge_idx,
            "W_V_w": W_V_w, "W_V_b": W_V_b,
            "B1_w": B1_w, "B1_b": B1_b, "B2_w": B2_w, "B2_b": B2_b,
            "B3_w": B3_w, "B3_b": B3_b,
            "W_O_w": W_O_w, "gate_w": gate_w, "gate_b": gate_b}


def reference(h_V, h_E, edge_idx, W_V_w, W_V_b, B1_w, B1_b, B2_w, B2_b, B3_w, B3_b, W_O_w, gate_w, gate_b):
    src_idx = edge_idx[0]
    dst_idx = edge_idx[1]
    h_V_skip = h_V
    E = h_E.shape[0]
    num_nodes = h_V.shape[0]
    n_heads = NUM_HEADS
    d = HEAD_DIM
    attn_scale = d ** (-0.5)
    # Bias MLP on concatenated [h_V[src], h_E, h_V[dst]]
    cat = jnp.concatenate([h_V[src_idx], h_E, h_V[dst_idx]], axis=-1)
    w = jnp.maximum(cat @ B1_w + B1_b, 0.0)
    w = jnp.maximum(w @ B2_w + B2_b, 0.0)
    w = (w @ B3_w + B3_b).reshape(E, n_heads, 1)
    attend_logits = w * attn_scale
    # W_V: Linear + GELU (exact, matching torch default)
    V = jax.nn.gelu(h_E @ W_V_w + W_V_b, approximate=False).reshape(E, n_heads, d)
    # scatter_softmax over src_idx
    seg_max = jax.lax.stop_gradient(jax.ops.segment_max(attend_logits, src_idx, num_segments=num_nodes))
    ex = jnp.exp(attend_logits - seg_max[src_idx])
    seg_sum = jax.ops.segment_sum(ex, src_idx, num_segments=num_nodes)
    attend = ex / (seg_sum[src_idx] + 1e-16)
    # scatter_sum of attend * V
    hV = jax.ops.segment_sum(attend * V, src_idx, num_segments=num_nodes).reshape(num_nodes, -1)
    h_V_gate = jax.nn.sigmoid(hV @ gate_w + gate_b)
    dh = (hV @ W_O_w) * h_V_gate
    return h_V_skip + dh

if __name__ == "__main__":
    import jax
    _d = setup_inputs()
    print(jax.jit(kernel)(*tuple(_d.values())))

</pallas_src>

<mosaic_0001>
#map = affine_map<(d0, d1) -> (0, 0, 0)>
#map1 = affine_map<(d0, d1) -> (0, 0)>
module attributes {stable_mosaic.version = 14 : i64} {
  func.func @_sc_scatter_u_body(%arg0: i32, %arg1: i32, %arg2: memref<32x80x128xi32, #tpu.memory_space<hbm>>, %arg3: memref<327680x128xf32, #tpu.memory_space<hbm>>, %arg4: memref<640x128xf32, #tpu.memory_space<hbm>>, %arg5: memref<2x10240x128xf32, #tpu.memory_space<hbm>>, %arg6: memref<80x128xi32, #tpu.memory_space<vmem>>, %arg7: memref<128x128xf32, #tpu.memory_space<vmem>>, %arg8: memref<128x128xf32, #tpu.memory_space<vmem>>, %arg9: memref<10240x128xf32, #tpu.memory_space<vmem_shared>>, %arg10: memref<!tpu.dma_semaphore, #tpu.memory_space<semaphore_mem>>, %arg11: memref<!tpu.dma_semaphore, #tpu.memory_space<semaphore_mem>>) attributes {dimension_semantics = [#tpu.dimension_semantics<core_parallel>, #tpu.dimension_semantics<subcore_parallel>], iteration_bounds = array<i64: 2, 16>, scalar_prefetch = 0 : i64, scratch_operands = 6 : i64, tpu.core_type = #tpu.core_type<sc_vector_subcore>, window_params = [{transform_indices = #map}, {transform_indices = #map1}, {transform_indices = #map1}, {transform_indices = #map}]} {
    %mul3A = arith.constant 2 : i32
    %mul3A_0 = arith.muli %arg1, %mul3A : i32
    %add3A = arith.addi %mul3A_0, %arg0 : i32
    %mul3A_1 = arith.constant 10240 : i32
    %mul3A_2 = arith.muli %add3A, %mul3A_1 : i32
    %mul3A_3 = arith.constant 640 : i32
    %mul3A_4 = arith.muli %arg1, %mul3A_3 : i32
    "tpu.region"() ({
      %run_scoped3A = tpu.sem_alloc : memref<!tpu.dma_semaphore, #tpu.memory_space<semaphore_mem>>
      %dma_start3A = arith.constant 0 : i32
      %dma_start3A_11 = tpu.memref_slice %arg9[%mul3A_4, %dma_start3A] : memref<10240x128xf32, #tpu.memory_space<vmem_shared>> -> memref<640x128xf32, #tpu.memory_space<vmem_shared>>
      tpu.enqueue_dma source(%arg4 : memref<640x128xf32, #tpu.memory_space<hbm>>) target(%dma_start3A_11 : memref<640x128xf32, #tpu.memory_space<vmem_shared>>) target_semaphore(%run_scoped3A : memref<!tpu.dma_semaphore, #tpu.memory_space<semaphore_mem>>)
      %dma_wait3A = arith.constant 0 : i32
      %dma_wait3A_12 = tpu.memref_slice %arg9[%mul3A_4, %dma_wait3A] : memref<10240x128xf32, #tpu.memory_space<vmem_shared>> -> memref<640x128xf32, #tpu.memory_space<vmem_shared>>
      tpu.wait_dma2 semaphore(%run_scoped3A : memref<!tpu.dma_semaphore, #tpu.memory_space<semaphore_mem>>) src(%arg4 : memref<640x128xf32, #tpu.memory_space<hbm>>) dst(%dma_wait3A_12 : memref<640x128xf32, #tpu.memory_space<vmem_shared>>)
      tpu.yield
    }) : () -> ()
    "tpu.region"() ({
      %run_scoped3A = tpu.sem_alloc : memref<!tpu.dma_semaphore, #tpu.memory_space<semaphore_mem>>
      %dma_start3A = arith.constant 0 : i32
      %dma_start3A_11 = arith.constant 0 : i32
      %dma_start3A_12 = tpu.memref_slice %arg2[%add3A, %dma_start3A, %dma_start3A_11] : memref<32x80x128xi32, #tpu.memory_space<hbm>> -> memref<1x80x128xi32, #tpu.memory_space<hbm>>
      %dma_start3A_13 = tpu.memref_squeeze %dma_start3A_12 : memref<1x80x128xi32, #tpu.memory_space<hbm>> -> memref<80x128xi32, #tpu.memory_space<hbm>>
      %dma_start3A_14 = arith.constant 0 : i32
      %dma_start3A_15 = arith.constant 0 : i32
      %dma_start3A_16 = tpu.memref_slice %arg2[%add3A, %dma_start3A_14, %dma_start3A_15] : memref<32x80x128xi32, #tpu.memory_space<hbm>> -> memref<1x80x128xi32, #tpu.memory_space<hbm>>
      %dma_start3A_17 = tpu.memref_squeeze %dma_start3A_16 : memref<1x80x128xi32, #tpu.memory_space<hbm>> -> memref<80x128xi32, #tpu.memory_space<hbm>>
      tpu.enqueue_dma source(%dma_start3A_17 : memref<80x128xi32, #tpu.memory_space<hbm>>) target(%arg6 : memref<80x128xi32, #tpu.memory_space<vmem>>) target_semaphore(%run_scoped3A : memref<!tpu.dma_semaphore, #tpu.memory_space<semaphore_mem>>)
      %dma_wait3A = arith.constant 0 : i32
      %dma_wait3A_18 = arith.constant 0 : i32
      %dma_wait3A_19 = tpu.memref_slice %arg2[%add3A, %dma_wait3A, %dma_wait3A_18] : memref<32x80x128xi32, #tpu.memory_space<hbm>> -> memref<1x80x128xi32, #tpu.memory_space<hbm>>
      %dma_wait3A_20 = tpu.memref_squeeze %dma_wait3A_19 : memref<1x80x128xi32, #tpu.memory_space<hbm>> -> memref<80x128xi32, #tpu.memory_space<hbm>>
      %dma_wait3A_21 = arith.constant 0 : i32
      %dma_wait3A_22 = arith.constant 0 : i32
      %dma_wait3A_23 = tpu.memref_slice %arg2[%add3A, %dma_wait3A_21, %dma_wait3A_22] : memref<32x80x128xi32, #tpu.memory_space<hbm>> -> memref<1x80x128xi32, #tpu.memory_space<hbm>>
      %dma_wait3A_24 = tpu.memref_squeeze %dma_wait3A_23 : memref<1x80x128xi32, #tpu.memory_space<hbm>> -> memref<80x128xi32, #tpu.memory_space<hbm>>
      tpu.wait_dma2 semaphore(%run_scoped3A : memref<!tpu.dma_semaphore, #tpu.memory_space<semaphore_mem>>) src(%dma_wait3A_24 : memref<80x128xi32, #tpu.memory_space<hbm>>) dst(%arg6 : memref<80x128xi32, #tpu.memory_space<vmem>>)
      tpu.yield
    }) : () -> ()
    %barrier3A = arith.constant 0 : index
    tpu.barrier barrier_id(%barrier3A)
    %scan3A = arith.constant 0 : i32
    %scan3A_5 = arith.constant 0 : i32
    %scan3A_6 = arith.constant 40 : i32
    %scan3A_7 = arith.addi %scan3A_5, %scan3A_6 : i32
    %scan3A_8 = arith.constant 1 : i32
    scf.for %scan3A_11 = %scan3A_5 to %scan3A_7 step %scan3A_8  : i32 {
      %mul3A_12 = arith.constant 2 : i32
      %mul3A_13 = arith.muli %scan3A_11, %mul3A_12 : i32
      %mul3A_14 = arith.constant 128 : i32
      %mul3A_15 = arith.muli %mul3A_13, %mul3A_14 : i32
      %add3A_16 = arith.addi %mul3A_2, %mul3A_15 : i32
      %dma_start3A = arith.constant 0 : i32
      %dma_start3A_17 = tpu.memref_slice %arg3[%add3A_16, %dma_start3A] : memref<327680x128xf32, #tpu.memory_space<hbm>> -> memref<128x128xf32, #tpu.memory_space<hbm>>
      %dma_start3A_18 = arith.constant 0 : i32
      %dma_start3A_19 = tpu.memref_slice %arg3[%add3A_16, %dma_start3A_18] : memref<327680x128xf32, #tpu.memory_space<hbm>> -> memref<128x128xf32, #tpu.memory_space<hbm>>
      tpu.enqueue_dma source(%dma_start3A_19 : memref<128x128xf32, #tpu.memory_space<hbm>>) target(%arg7 : memref<128x128xf32, #tpu.memory_space<vmem>>) target_semaphore(%arg10 : memref<!tpu.dma_semaphore, #tpu.memory_space<semaphore_mem>>)
      %dma_wait3A = arith.constant 0 : i32
      %dma_wait3A_20 = tpu.memref_slice %arg3[%add3A_16, %dma_wait3A] : memref<327680x128xf32, #tpu.memory_space<hbm>> -> memref<128x128xf32, #tpu.memory_space<hbm>>
      %dma_wait3A_21 = arith.constant 0 : i32
      %dma_wait3A_22 = tpu.memref_slice %arg3[%add3A_16, %dma_wait3A_21] : memref<327680x128xf32, #tpu.memory_space<hbm>> -> memref<128x128xf32, #tpu.memory_space<hbm>>
      tpu.wait_dma2 semaphore(%arg10 : memref<!tpu.dma_semaphore, #tpu.memory_space<semaphore_mem>>) src(%dma_wait3A_22 : memref<128x128xf32, #tpu.memory_space<hbm>>) dst(%arg7 : memref<128x128xf32, #tpu.memory_space<vmem>>)
      %mul3A_23 = arith.constant 2 : i32
      %mul3A_24 = arith.muli %mul3A_23, %scan3A_11 : i32
      "tpu.region"() ({
        %run_scoped3A = tpu.sem_alloc : memref<!tpu.dma_semaphore, #tpu.memory_space<semaphore_mem>>
        %dma_start3A_44 = arith.constant 0 : i32
        %dma_start3A_45 = tpu.memref_slice %arg6[%mul3A_24, %dma_start3A_44] : memref<80x128xi32, #tpu.memory_space<vmem>> -> memref<1x128xi32, #tpu.memory_space<vmem>>
        %dma_start3A_46 = tpu.memref_squeeze %dma_start3A_45 : memref<1x128xi32, #tpu.memory_space<vmem>> -> memref<128xi32, #tpu.memory_space<vmem>>
        %dma_start3A_47 = arith.constant 0 : i32
        %dma_start3A_48 = arith.constant 0 : i32
        %dma_start3A_49 = tpu.memref_slice %arg9[%dma_start3A_47, %dma_start3A_48] : memref<10240x128xf32, #tpu.memory_space<vmem_shared>> -> memref<10240x128xf32, #tpu.memory_space<vmem_shared>>
        tpu.enqueue_indirect_dma source(%arg7 : memref<128x128xf32, #tpu.memory_space<vmem>>) target(%dma_start3A_49 : memref<10240x128xf32, #tpu.memory_space<vmem_shared>>) offsets(%dma_start3A_46 : memref<128xi32, #tpu.memory_space<vmem>>) semaphore(%run_scoped3A : memref<!tpu.dma_semaphore, #tpu.memory_space<semaphore_mem>>) {add = true}
        %dma_wait3A_50 = arith.constant 0 : i32
        %dma_wait3A_51 = tpu.memref_slice %arg6[%mul3A_24, %dma_wait3A_50] : memref<80x128xi32, #tpu.memory_space<vmem>> -> memref<1x128xi32, #tpu.memory_space<vmem>>
        %dma_wait3A_52 = tpu.memref_squeeze %dma_wait3A_51 : memref<1x128xi32, #tpu.memory_space<vmem>> -> memref<128xi32, #tpu.memory_space<vmem>>
        %dma_wait3A_53 = arith.constant 0 : i32
        %dma_wait3A_54 = arith.constant 0 : i32
        %dma_wait3A_55 = tpu.memref_slice %arg9[%dma_wait3A_53, %dma_wait3A_54] : memref<10240x128xf32, #tpu.memory_space<vmem_shared>> -> memref<10240x128xf32, #tpu.memory_space<vmem_shared>>
        tpu.wait_indirect_dma semaphore(%run_scoped3A : memref<!tpu.dma_semaphore, #tpu.memory_space<semaphore_mem>>) src(%arg7 : memref<128x128xf32, #tpu.memory_space<vmem>>) dst(%dma_wait3A_55 : memref<10240x128xf32, #tpu.memory_space<vmem_shared>>)
        tpu.yield
      }) : () -> ()
      %mul3A_25 = arith.constant 2 : i32
      %mul3A_26 = arith.muli %mul3A_25, %scan3A_11 : i32
      %add3A_27 = arith.constant 1 : i32
      %add3A_28 = arith.addi %mul3A_26, %add3A_27 : i32
      %mul3A_29 = arith.constant 128 : i32
      %mul3A_30 = arith.muli %add3A_28, %mul3A_29 : i32
      %add3A_31 = arith.addi %mul3A_2, %mul3A_30 : i32
      %dma_start3A_32 = arith.constant 0 : i32
      %dma_start3A_33 = tpu.memref_slice %arg3[%add3A_31, %dma_start3A_32] : memref<327680x128xf32, #tpu.memory_space<hbm>> -> memref<128x128xf32, #tpu.memory_space<hbm>>
      %dma_start3A_34 = arith.constant 0 : i32
      %dma_start3A_35 = tpu.memref_slice %arg3[%add3A_31, %dma_start3A_34] : memref<327680x128xf32, #tpu.memory_space<hbm>> -> memref<128x128xf32, #tpu.memory_space<hbm>>
      tpu.enqueue_dma source(%dma_start3A_35 : memref<128x128xf32, #tpu.memory_space<hbm>>) target(%arg8 : memref<128x128xf32, #tpu.memory_space<vmem>>) target_semaphore(%arg11 : memref<!tpu.dma_semaphore, #tpu.memory_space<semaphore_mem>>)
      %dma_wait3A_36 = arith.constant 0 : i32
      %dma_wait3A_37 = tpu.memref_slice %arg3[%add3A_31, %dma_wait3A_36] : memref<327680x128xf32, #tpu.memory_space<hbm>> -> memref<128x128xf32, #tpu.memory_space<hbm>>
      %dma_wait3A_38 = arith.constant 0 : i32
      %dma_wait3A_39 = tpu.memref_slice %arg3[%add3A_31, %dma_wait3A_38] : memref<327680x128xf32, #tpu.memory_space<hbm>> -> memref<128x128xf32, #tpu.memory_space<hbm>>
      tpu.wait_dma2 semaphore(%arg11 : memref<!tpu.dma_semaphore, #tpu.memory_space<semaphore_mem>>) src(%dma_wait3A_39 : memref<128x128xf32, #tpu.memory_space<hbm>>) dst(%arg8 : memref<128x128xf32, #tpu.memory_space<vmem>>)
      %mul3A_40 = arith.constant 2 : i32
      %mul3A_41 = arith.muli %mul3A_40, %scan3A_11 : i32
      %add3A_42 = arith.constant 1 : i32
      %add3A_43 = arith.addi %mul3A_41, %add3A_42 : i32
      "tpu.region"() ({
        %run_scoped3A = tpu.sem_alloc : memref<!tpu.dma_semaphore, #tpu.memory_space<semaphore_mem>>
        %dma_start3A_44 = arith.constant 0 : i32
        %dma_start3A_45 = tpu.memref_slice %arg6[%add3A_43, %dma_start3A_44] : memref<80x128xi32, #tpu.memory_space<vmem>> -> memref<1x128xi32, #tpu.memory_space<vmem>>
        %dma_start3A_46 = tpu.memref_squeeze %dma_start3A_45 : memref<1x128xi32, #tpu.memory_space<vmem>> -> memref<128xi32, #tpu.memory_space<vmem>>
        %dma_start3A_47 = arith.constant 0 : i32
        %dma_start3A_48 = arith.constant 0 : i32
        %dma_start3A_49 = tpu.memref_slice %arg9[%dma_start3A_47, %dma_start3A_48] : memref<10240x128xf32, #tpu.memory_space<vmem_shared>> -> memref<10240x128xf32, #tpu.memory_space<vmem_shared>>
        tpu.enqueue_indirect_dma source(%arg8 : memref<128x128xf32, #tpu.memory_space<vmem>>) target(%dma_start3A_49 : memref<10240x128xf32, #tpu.memory_space<vmem_shared>>) offsets(%dma_start3A_46 : memref<128xi32, #tpu.memory_space<vmem>>) semaphore(%run_scoped3A : memref<!tpu.dma_semaphore, #tpu.memory_space<semaphore_mem>>) {add = true}
        %dma_wait3A_50 = arith.constant 0 : i32
        %dma_wait3A_51 = tpu.memref_slice %arg6[%add3A_43, %dma_wait3A_50] : memref<80x128xi32, #tpu.memory_space<vmem>> -> memref<1x128xi32, #tpu.memory_space<vmem>>
        %dma_wait3A_52 = tpu.memref_squeeze %dma_wait3A_51 : memref<1x128xi32, #tpu.memory_space<vmem>> -> memref<128xi32, #tpu.memory_space<vmem>>
        %dma_wait3A_53 = arith.constant 0 : i32
        %dma_wait3A_54 = arith.constant 0 : i32
        %dma_wait3A_55 = tpu.memref_slice %arg9[%dma_wait3A_53, %dma_wait3A_54] : memref<10240x128xf32, #tpu.memory_space<vmem_shared>> -> memref<10240x128xf32, #tpu.memory_space<vmem_shared>>
        tpu.wait_indirect_dma semaphore(%run_scoped3A : memref<!tpu.dma_semaphore, #tpu.memory_space<semaphore_mem>>) src(%arg8 : memref<128x128xf32, #tpu.memory_space<vmem>>) dst(%dma_wait3A_55 : memref<10240x128xf32, #tpu.memory_space<vmem_shared>>)
        tpu.yield
      }) : () -> ()
    }
    %scan3A_9 = arith.constant 40 : i32
    %barrier3A_10 = arith.constant 0 : index
    tpu.barrier barrier_id(%barrier3A_10)
    "tpu.region"() ({
      %run_scoped3A = tpu.sem_alloc : memref<!tpu.dma_semaphore, #tpu.memory_space<semaphore_mem>>
      %dma_start3A = arith.constant 0 : i32
      %dma_start3A_11 = tpu.memref_slice %arg5[%arg0, %mul3A_4, %dma_start3A] : memref<2x10240x128xf32, #tpu.memory_space<hbm>> -> memref<1x640x128xf32, #tpu.memory_space<hbm>>
      %dma_start3A_12 = tpu.memref_squeeze %dma_start3A_11 : memref<1x640x128xf32, #tpu.memory_space<hbm>> -> memref<640x128xf32, #tpu.memory_space<hbm>>
      %dma_start3A_13 = arith.constant 0 : i32
      %dma_start3A_14 = tpu.memref_slice %arg9[%mul3A_4, %dma_start3A_13] : memref<10240x128xf32, #tpu.memory_space<vmem_shared>> -> memref<640x128xf32, #tpu.memory_space<vmem_shared>>
      tpu.enqueue_dma source(%dma_start3A_14 : memref<640x128xf32, #tpu.memory_space<vmem_shared>>) target(%dma_start3A_12 : memref<640x128xf32, #tpu.memory_space<hbm>>) target_semaphore(%run_scoped3A : memref<!tpu.dma_semaphore, #tpu.memory_space<semaphore_mem>>)
      %dma_wait3A = arith.constant 0 : i32
      %dma_wait3A_15 = tpu.memref_slice %arg5[%arg0, %mul3A_4, %dma_wait3A] : memref<2x10240x128xf32, #tpu.memory_space<hbm>> -> memref<1x640x128xf32, #tpu.memory_space<hbm>>
      %dma_wait3A_16 = tpu.memref_squeeze %dma_wait3A_15 : memref<1x640x128xf32, #tpu.memory_space<hbm>> -> memref<640x128xf32, #tpu.memory_space<hbm>>
      %dma_wait3A_17 = arith.constant 0 : i32
      %dma_wait3A_18 = tpu.memref_slice %arg9[%mul3A_4, %dma_wait3A_17] : memref<10240x128xf32, #tpu.memory_space<vmem_shared>> -> memref<640x128xf32, #tpu.memory_space<vmem_shared>>
      tpu.wait_dma2 semaphore(%run_scoped3A : memref<!tpu.dma_semaphore, #tpu.memory_space<semaphore_mem>>) src(%dma_wait3A_18 : memref<640x128xf32, #tpu.memory_space<vmem_shared>>) dst(%dma_wait3A_16 : memref<640x128xf32, #tpu.memory_space<hbm>>)
      tpu.yield
    }) : () -> ()
    return
  }
}

#map = affine_map<(d0, d1) -> (0, 0, 0)>
#map1 = affine_map<(d0, d1) -> (0, 0)>
module attributes {stable_mosaic.version = 14 : i64} {
  func.func @_sc_gather_body(%arg0: i32, %arg1: i32, %arg2: memref<32x80x128xi32, #tpu.memory_space<hbm>>, %arg3: memref<32x80x128xi32, #tpu.memory_space<hbm>>, %arg4: memref<10240x128xf32, #tpu.memory_space<hbm>>, %arg5: memref<10240x128xf32, #tpu.memory_space<hbm>>, %arg6: memref<327680x128xf32, #tpu.memory_space<hbm>>, %arg7: memref<327680x128xf32, #tpu.memory_space<hbm>>, %arg8: memref<80x128xi32, #tpu.memory_space<vmem>>, %arg9: memref<80x128xi32, #tpu.memory_space<vmem>>, %arg10: memref<512x128xf32, #tpu.memory_space<vmem>>, %arg11: memref<!tpu.dma_semaphore, #tpu.memory_space<semaphore_mem>>) attributes {dimension_semantics = [#tpu.dimension_semantics<core_parallel>, #tpu.dimension_semantics<subcore_parallel>], iteration_bounds = array<i64: 2, 16>, scalar_prefetch = 0 : i64, scratch_operands = 4 : i64, tpu.core_type = #tpu.core_type<sc_vector_subcore>, window_params = [{transform_indices = #map}, {transform_indices = #map}, {transform_indices = #map1}, {transform_indices = #map1}, {transform_indices = #map1}, {transform_indices = #map1}]} {
    %mul3A = arith.constant 2 : i32
    %mul3A_0 = arith.muli %arg1, %mul3A : i32
    %add3A = arith.addi %mul3A_0, %arg0 : i32
    %mul3A_1 = arith.constant 10240 : i32
    %mul3A_2 = arith.muli %add3A, %mul3A_1 : i32
    "tpu.region"() ({
      %run_scoped3A = tpu.sem_alloc : memref<!tpu.dma_semaphore, #tpu.memory_space<semaphore_mem>>
      %dma_start3A = arith.constant 0 : i32
      %dma_start3A_14 = arith.constant 0 : i32
      %dma_start3A_15 = tpu.memref_slice %arg2[%add3A, %dma_start3A, %dma_start3A_14] : memref<32x80x128xi32, #tpu.memory_space<hbm>> -> memref<1x80x128xi32, #tpu.memory_space<hbm>>
      %dma_start3A_16 = tpu.memref_squeeze %dma_start3A_15 : memref<1x80x128xi32, #tpu.memory_space<hbm>> -> memref<80x128xi32, #tpu.memory_space<hbm>>
      %dma_start3A_17 = arith.constant 0 : i32
      %dma_start3A_18 = arith.constant 0 : i32
      %dma_start3A_19 = tpu.memref_slice %arg2[%add3A, %dma_start3A_17, %dma_start3A_18] : memref<32x80x128xi32, #tpu.memory_space<hbm>> -> memref<1x80x128xi32, #tpu.memory_space<hbm>>
      %dma_start3A_20 = tpu.memref_squeeze %dma_start3A_19 : memref<1x80x128xi32, #tpu.memory_space<hbm>> -> memref<80x128xi32, #tpu.memory_space<hbm>>
      tpu.enqueue_dma source(%dma_start3A_20 : memref<80x128xi32, #tpu.memory_space<hbm>>) target(%arg8 : memref<80x128xi32, #tpu.memory_space<vmem>>) target_semaphore(%run_scoped3A : memref<!tpu.dma_semaphore, #tpu.memory_space<semaphore_mem>>)
      %dma_wait3A = arith.constant 0 : i32
      %dma_wait3A_21 = arith.constant 0 : i32
      %dma_wait3A_22 = tpu.memref_slice %arg2[%add3A, %dma_wait3A, %dma_wait3A_21] : memref<32x80x128xi32, #tpu.memory_space<hbm>> -> memref<1x80x128xi32, #tpu.memory_space<hbm>>
      %dma_wait3A_23 = tpu.memref_squeeze %dma_wait3A_22 : memref<1x80x128xi32, #tpu.memory_space<hbm>> -> memref<80x128xi32, #tpu.memory_space<hbm>>
      %dma_wait3A_24 = arith.constant 0 : i32
      %dma_wait3A_25 = arith.constant 0 : i32
      %dma_wait3A_26 = tpu.memref_slice %arg2[%add3A, %dma_wait3A_24, %dma_wait3A_25] : memref<32x80x128xi32, #tpu.memory_space<hbm>> -> memref<1x80x128xi32, #tpu.memory_space<hbm>>
      %dma_wait3A_27 = tpu.memref_squeeze %dma_wait3A_26 : memref<1x80x128xi32, #tpu.memory_space<hbm>> -> memref<80x128xi32, #tpu.memory_space<hbm>>
      tpu.wait_dma2 semaphore(%run_scoped3A : memref<!tpu.dma_semaphore, #tpu.memory_space<semaphore_mem>>) src(%dma_wait3A_27 : memref<80x128xi32, #tpu.memory_space<hbm>>) dst(%arg8 : memref<80x128xi32, #tpu.memory_space<vmem>>)
      tpu.yield
    }) : () -> ()
    "tpu.region"() ({
      %run_scoped3A = tpu.sem_alloc : memref<!tpu.dma_semaphore, #tpu.memory_space<semaphore_mem>>
      %dma_start3A = arith.constant 0 : i32
      %dma_start3A_14 = arith.constant 0 : i32
      %dma_start3A_15 = tpu.memref_slice %arg3[%add3A, %dma_start3A, %dma_start3A_14] : memref<32x80x128xi32, #tpu.memory_space<hbm>> -> memref<1x80x128xi32, #tpu.memory_space<hbm>>
      %dma_start3A_16 = tpu.memref_squeeze %dma_start3A_15 : memref<1x80x128xi32, #tpu.memory_space<hbm>> -> memref<80x128xi32, #tpu.memory_space<hbm>>
      %dma_start3A_17 = arith.constant 0 : i32
      %dma_start3A_18 = arith.constant 0 : i32
      %dma_start3A_19 = tpu.memref_slice %arg3[%add3A, %dma_start3A_17, %dma_start3A_18] : memref<32x80x128xi32, #tpu.memory_space<hbm>> -> memref<1x80x128xi32, #tpu.memory_space<hbm>>
      %dma_start3A_20 = tpu.memref_squeeze %dma_start3A_19 : memref<1x80x128xi32, #tpu.memory_space<hbm>> -> memref<80x128xi32, #tpu.memory_space<hbm>>
      tpu.enqueue_dma source(%dma_start3A_20 : memref<80x128xi32, #tpu.memory_space<hbm>>) target(%arg9 : memref<80x128xi32, #tpu.memory_space<vmem>>) target_semaphore(%run_scoped3A : memref<!tpu.dma_semaphore, #tpu.memory_space<semaphore_mem>>)
      %dma_wait3A = arith.constant 0 : i32
      %dma_wait3A_21 = arith.constant 0 : i32
      %dma_wait3A_22 = tpu.memref_slice %arg3[%add3A, %dma_wait3A, %dma_wait3A_21] : memref<32x80x128xi32, #tpu.memory_space<hbm>> -> memref<1x80x128xi32, #tpu.memory_space<hbm>>
      %dma_wait3A_23 = tpu.memref_squeeze %dma_wait3A_22 : memref<1x80x128xi32, #tpu.memory_space<hbm>> -> memref<80x128xi32, #tpu.memory_space<hbm>>
      %dma_wait3A_24 = arith.constant 0 : i32
      %dma_wait3A_25 = arith.constant 0 : i32
      %dma_wait3A_26 = tpu.memref_slice %arg3[%add3A, %dma_wait3A_24, %dma_wait3A_25] : memref<32x80x128xi32, #tpu.memory_space<hbm>> -> memref<1x80x128xi32, #tpu.memory_space<hbm>>
      %dma_wait3A_27 = tpu.memref_squeeze %dma_wait3A_26 : memref<1x80x128xi32, #tpu.memory_space<hbm>> -> memref<80x128xi32, #tpu.memory_space<hbm>>
      tpu.wait_dma2 semaphore(%run_scoped3A : memref<!tpu.dma_semaphore, #tpu.memory_space<semaphore_mem>>) src(%dma_wait3A_27 : memref<80x128xi32, #tpu.memory_space<hbm>>) dst(%arg9 : memref<80x128xi32, #tpu.memory_space<vmem>>)
      tpu.yield
    }) : () -> ()
    %scan3A = arith.constant 0 : i32
    %scan3A_3 = arith.constant 0 : i32
    %scan3A_4 = arith.constant 20 : i32
    %scan3A_5 = arith.addi %scan3A_3, %scan3A_4 : i32
    %scan3A_6 = arith.constant 1 : i32
    scf.for %scan3A_14 = %scan3A_3 to %scan3A_5 step %scan3A_6  : i32 {
      %mul3A_15 = arith.constant 4 : i32
      %mul3A_16 = arith.muli %scan3A_14, %mul3A_15 : i32
      %add3A_17 = arith.constant 0 : i32
      %add3A_18 = arith.addi %mul3A_16, %add3A_17 : i32
      %dma_start3A = arith.constant 0 : i32
      %dma_start3A_19 = arith.constant 0 : i32
      %dma_start3A_20 = tpu.memref_slice %arg10[%dma_start3A, %dma_start3A_19] : memref<512x128xf32, #tpu.memory_space<vmem>> -> memref<128x128xf32, #tpu.memory_space<vmem>>
      %dma_start3A_21 = arith.constant 0 : i32
      %dma_start3A_22 = tpu.memref_slice %arg8[%add3A_18, %dma_start3A_21] : memref<80x128xi32, #tpu.memory_space<vmem>> -> memref<1x128xi32, #tpu.memory_space<vmem>>
      %dma_start3A_23 = tpu.memref_squeeze %dma_start3A_22 : memref<1x128xi32, #tpu.memory_space<vmem>> -> memref<128xi32, #tpu.memory_space<vmem>>
      %dma_start3A_24 = arith.constant 0 : i32
      %dma_start3A_25 = arith.constant 0 : i32
      %dma_start3A_26 = tpu.memref_slice %arg4[%dma_start3A_24, %dma_start3A_25] : memref<10240x128xf32, #tpu.memory_space<hbm>> -> memref<10240x128xf32, #tpu.memory_space<hbm>>
      tpu.enqueue_indirect_dma source(%dma_start3A_26 : memref<10240x128xf32, #tpu.memory_space<hbm>>) target(%dma_start3A_20 : memref<128x128xf32, #tpu.memory_space<vmem>>) offsets(%dma_start3A_23 : memref<128xi32, #tpu.memory_space<vmem>>) semaphore(%arg11 : memref<!tpu.dma_semaphore, #tpu.memory_space<semaphore_mem>>)
      %mul3A_27 = arith.constant 4 : i32
      %mul3A_28 = arith.muli %scan3A_14, %mul3A_27 : i32
      %add3A_29 = arith.constant 1 : i32
      %add3A_30 = arith.addi %mul3A_28, %add3A_29 : i32
      %dma_start3A_31 = arith.constant 128 : i32
      %dma_start3A_32 = arith.constant 0 : i32
      %dma_start3A_33 = tpu.memref_slice %arg10[%dma_start3A_31, %dma_start3A_32] : memref<512x128xf32, #tpu.memory_space<vmem>> -> memref<128x128xf32, #tpu.memory_space<vmem>>
      %dma_start3A_34 = arith.constant 0 : i32
      %dma_start3A_35 = tpu.memref_slice %arg8[%add3A_30, %dma_start3A_34] : memref<80x128xi32, #tpu.memory_space<vmem>> -> memref<1x128xi32, #tpu.memory_space<vmem>>
      %dma_start3A_36 = tpu.memref_squeeze %dma_start3A_35 : memref<1x128xi32, #tpu.memory_space<vmem>> -> memref<128xi32, #tpu.memory_space<vmem>>
      %dma_start3A_37 = arith.constant 0 : i32
      %dma_start3A_38 = arith.constant 0 : i32
      %dma_start3A_39 = tpu.memref_slice %arg4[%dma_start3A_37, %dma_start3A_38] : memref<10240x128xf32, #tpu.memory_space<hbm>> -> memref<10240x128xf32, #tpu.memory_space<hbm>>
      tpu.enqueue_indirect_dma source(%dma_start3A_39 : memref<10240x128xf32, #tpu.memory_space<hbm>>) target(%dma_start3A_33 : memref<128x128xf32, #tpu.memory_space<vmem>>) offsets(%dma_start3A_36 : memref<128xi32, #tpu.memory_space<vmem>>) semaphore(%arg11 : memref<!tpu.dma_semaphore, #tpu.memory_space<semaphore_mem>>)
      %mul3A_40 = arith.constant 4 : i32
      %mul3A_41 = arith.muli %scan3A_14, %mul3A_40 : i32
      %add3A_42 = arith.constant 2 : i32
      %add3A_43 = arith.addi %mul3A_41, %add3A_42 : i32
      %dma_start3A_44 = arith.constant 256 : i32
      %dma_start3A_45 = arith.constant 0 : i32
      %dma_start3A_46 = tpu.memref_slice %arg10[%dma_start3A_44, %dma_start3A_45] : memref<512x128xf32, #tpu.memory_space<vmem>> -> memref<128x128xf32, #tpu.memory_space<vmem>>
      %dma_start3A_47 = arith.constant 0 : i32
      %dma_start3A_48 = tpu.memref_slice %arg8[%add3A_43, %dma_start3A_47] : memref<80x128xi32, #tpu.memory_space<vmem>> -> memref<1x128xi32, #tpu.memory_space<vmem>>
      %dma_start3A_49 = tpu.memref_squeeze %dma_start3A_48 : memref<1x128xi32, #tpu.memory_space<vmem>> -> memref<128xi32, #tpu.memory_space<vmem>>
      %dma_start3A_50 = arith.constant 0 : i32
      %dma_start3A_51 = arith.constant 0 : i32
      %dma_start3A_52 = tpu.memref_slice %arg4[%dma_start3A_50, %dma_start3A_51] : memref<10240x128xf32, #tpu.memory_space<hbm>> -> memref<10240x128xf32, #tpu.memory_space<hbm>>
      tpu.enqueue_indirect_dma source(%dma_start3A_52 : memref<10240x128xf32, #tpu.memory_space<hbm>>) target(%dma_start3A_46 : memref<128x128xf32, #tpu.memory_space<vmem>>) offsets(%dma_start3A_49 : memref<128xi32, #tpu.memory_space<vmem>>) semaphore(%arg11 : memref<!tpu.dma_semaphore, #tpu.memory_space<semaphore_mem>>)
      %mul3A_53 = arith.constant 4 : i32
      %mul3A_54 = arith.muli %scan3A_14, %mul3A_53 : i32
      %add3A_55 = arith.constant 3 : i32
      %add3A_56 = arith.addi %mul3A_54, %add3A_55 : i32
      %dma_start3A_57 = arith.constant 384 : i32
      %dma_start3A_58 = arith.constant 0 : i32
      %dma_start3A_59 = tpu.memref_slice %arg10[%dma_start3A_57, %dma_start3A_58] : memref<512x128xf32, #tpu.memory_space<vmem>> -> memref<128x128xf32, #tpu.memory_space<vmem>>
      %dma_start3A_60 = arith.constant 0 : i32
      %dma_start3A_61 = tpu.memref_slice %arg8[%add3A_56, %dma_start3A_60] : memref<80x128xi32, #tpu.memory_space<vmem>> -> memref<1x128xi32, #tpu.memory_space<vmem>>
      %dma_start3A_62 = tpu.memref_squeeze %dma_start3A_61 : memref<1x128xi32, #tpu.memory_space<vmem>> -> memref<128xi32, #tpu.memory_space<vmem>>
      %dma_start3A_63 = arith.constant 0 : i32
      %dma_start3A_64 = arith.constant 0 : i32
      %dma_start3A_65 = tpu.memref_slice %arg4[%dma_start3A_63, %dma_start3A_64] : memref<10240x128xf32, #tpu.memory_space<hbm>> -> memref<10240x128xf32, #tpu.memory_space<hbm>>
      tpu.enqueue_indirect_dma source(%dma_start3A_65 : memref<10240x128xf32, #tpu.memory_space<hbm>>) target(%dma_start3A_59 : memref<128x128xf32, #tpu.memory_space<vmem>>) offsets(%dma_start3A_62 : memref<128xi32, #tpu.memory_space<vmem>>) semaphore(%arg11 : memref<!tpu.dma_semaphore, #tpu.memory_space<semaphore_mem>>)
      %dma_wait3A = arith.constant 0 : i32
      %dma_wait3A_66 = arith.constant 0 : i32
      %dma_wait3A_67 = tpu.memref_slice %arg10[%dma_wait3A, %dma_wait3A_66] : memref<512x128xf32, #tpu.memory_space<vmem>> -> memref<128x128xf32, #tpu.memory_space<vmem>>
      %dma_wait3A_68 = arith.constant 0 : i32
      %dma_wait3A_69 = tpu.memref_slice %arg8[%add3A_18, %dma_wait3A_68] : memref<80x128xi32, #tpu.memory_space<vmem>> -> memref<1x128xi32, #tpu.memory_space<vmem>>
      %dma_wait3A_70 = tpu.memref_squeeze %dma_wait3A_69 : memref<1x128xi32, #tpu.memory_space<vmem>> -> memref<128xi32, #tpu.memory_space<vmem>>
      %dma_wait3A_71 = arith.constant 0 : i32
      %dma_wait3A_72 = arith.constant 0 : i32
      %dma_wait3A_73 = tpu.memref_slice %arg4[%dma_wait3A_71, %dma_wait3A_72] : memref<10240x128xf32, #tpu.memory_space<hbm>> -> memref<10240x128xf32, #tpu.memory_space<hbm>>
      tpu.wait_indirect_dma semaphore(%arg11 : memref<!tpu.dma_semaphore, #tpu.memory_space<semaphore_mem>>) src(%dma_wait3A_73 : memref<10240x128xf32, #tpu.memory_space<hbm>>) dst(%dma_wait3A_67 : memref<128x128xf32, #tpu.memory_space<vmem>>)
      %dma_wait3A_74 = arith.constant 128 : i32
      %dma_wait3A_75 = arith.constant 0 : i32
      %dma_wait3A_76 = tpu.memref_slice %arg10[%dma_wait3A_74, %dma_wait3A_75] : memref<512x128xf32, #tpu.memory_space<vmem>> -> memref<128x128xf32, #tpu.memory_space<vmem>>
      %dma_wait3A_77 = arith.constant 0 : i32
      %dma_wait3A_78 = tpu.memref_slice %arg8[%add3A_30, %dma_wait3A_77] : memref<80x128xi32, #tpu.memory_space<vmem>> -> memref<1x128xi32, #tpu.memory_space<vmem>>
      %dma_wait3A_79 = tpu.memref_squeeze %dma_wait3A_78 : memref<1x128xi32, #tpu.memory_space<vmem>> -> memref<128xi32, #tpu.memory_space<vmem>>
      %dma_wait3A_80 = arith.constant 0 : i32
      %dma_wait3A_81 = arith.constant 0 : i32
      %dma_wait3A_82 = tpu.memref_slice %arg4[%dma_wait3A_80, %dma_wait3A_81] : memref<10240x128xf32, #tpu.memory_space<hbm>> -> memref<10240x128xf32, #tpu.memory_space<hbm>>
      tpu.wait_indirect_dma semaphore(%arg11 : memref<!tpu.dma_semaphore, #tpu.memory_space<semaphore_mem>>) src(%dma_wait3A_82 : memref<10240x128xf32, #tpu.memory_space<hbm>>) dst(%dma_wait3A_76 : memref<128x128xf32, #tpu.memory_space<vmem>>)
      %dma_wait3A_83 = arith.constant 256 : i32
      %dma_wait3A_84 = arith.constant 0 : i32
      %dma_wait3A_85 = tpu.memref_slice %arg10[%dma_wait3A_83, %dma_wait3A_84] : memref<512x128xf32, #tpu.memory_space<vmem>> -> memref<128x128xf32, #tpu.memory_space<vmem>>
      %dma_wait3A_86 = arith.constant 0 : i32
      %dma_wait3A_87 = tpu.memref_slice %arg8[%add3A_43, %dma_wait3A_86] : memref<80x128xi32, #tpu.memory_space<vmem>> -> memref<1x128xi32, #tpu.memory_space<vmem>>
      %dma_wait3A_88 = tpu.memref_squeeze %dma_wait3A_87 : memref<1x128xi32, #tpu.memory_space<vmem>> -> memref<128xi32, #tpu.memory_space<vmem>>
      %dma_wait3A_89 = arith.constant 0 : i32
      %dma_wait3A_90 = arith.constant 0 : i32
      %dma_wait3A_91 = tpu.memref_slice %arg4[%dma_wait3A_89, %dma_wait3A_90] : memref<10240x128xf32, #tpu.memory_space<hbm>> -> memref<10240x128xf32, #tpu.memory_space<hbm>>
      tpu.wait_indirect_dma semaphore(%arg11 : memref<!tpu.dma_semaphore, #tpu.memory_space<semaphore_mem>>) src(%dma_wait3A_91 : memref<10240x128xf32, #tpu.memory_space<hbm>>) dst(%dma_wait3A_85 : memref<128x128xf32, #tpu.memory_space<vmem>>)
      %dma_wait3A_92 = arith.constant 384 : i32
      %dma_wait3A_93 = arith.constant 0 : i32
      %dma_wait3A_94 = tpu.memref_slice %arg10[%dma_wait3A_92, %dma_wait3A_93] : memref<512x128xf32, #tpu.memory_space<vmem>> -> memref<128x128xf32, #tpu.memory_space<vmem>>
      %dma_wait3A_95 = arith.constant 0 : i32
      %dma_wait3A_96 = tpu.memref_slice %arg8[%add3A_56, %dma_wait3A_95] : memref<80x128xi32, #tpu.memory_space<vmem>> -> memref<1x128xi32, #tpu.memory_space<vmem>>
      %dma_wait3A_97 = tpu.memref_squeeze %dma_wait3A_96 : memref<1x128xi32, #tpu.memory_space<vmem>> -> memref<128xi32, #tpu.memory_space<vmem>>
      %dma_wait3A_98 = arith.constant 0 : i32
      %dma_wait3A_99 = arith.constant 0 : i32
      %dma_wait3A_100 = tpu.memref_slice %arg4[%dma_wait3A_98, %dma_wait3A_99] : memref<10240x128xf32, #tpu.memory_space<hbm>> -> memref<10240x128xf32, #tpu.memory_space<hbm>>
      tpu.wait_indirect_dma semaphore(%arg11 : memref<!tpu.dma_semaphore, #tpu.memory_space<semaphore_mem>>) src(%dma_wait3A_100 : memref<10240x128xf32, #tpu.memory_space<hbm>>) dst(%dma_wait3A_94 : memref<128x128xf32, #tpu.memory_space<vmem>>)
      %mul3A_101 = arith.constant 4 : i32
      %mul3A_102 = arith.muli %scan3A_14, %mul3A_101 : i32
      %mul3A_103 = arith.constant 128 : i32
      %mul3A_104 = arith.muli %mul3A_102, %mul3A_103 : i32
      %add3A_105 = arith.addi %mul3A_2, %mul3A_104 : i32
      "tpu.region"() ({
        %run_scoped3A = tpu.sem_alloc : memref<!tpu.dma_semaphore, #tpu.memory_space<semaphore_mem>>
        %dma_start3A_106 = arith.constant 0 : i32
        %dma_start3A_107 = tpu.memref_slice %arg6[%add3A_105, %dma_start3A_106] : memref<327680x128xf32, #tpu.memory_space<hbm>> -> memref<512x128xf32, #tpu.memory_space<hbm>>
        %dma_start3A_108 = arith.constant 0 : i32
        %dma_start3A_109 = tpu.memref_slice %arg6[%add3A_105, %dma_start3A_108] : memref<327680x128xf32, #tpu.memory_space<hbm>> -> memref<512x128xf32, #tpu.memory_space<hbm>>
        tpu.enqueue_dma source(%arg10 : memref<512x128xf32, #tpu.memory_space<vmem>>) target(%dma_start3A_109 : memref<512x128xf32, #tpu.memory_space<hbm>>) target_semaphore(%run_scoped3A : memref<!tpu.dma_semaphore, #tpu.memory_space<semaphore_mem>>)
        %dma_wait3A_110 = arith.constant 0 : i32
        %dma_wait3A_111 = tpu.memref_slice %arg6[%add3A_105, %dma_wait3A_110] : memref<327680x128xf32, #tpu.memory_space<hbm>> -> memref<512x128xf32, #tpu.memory_space<hbm>>
        %dma_wait3A_112 = arith.constant 0 : i32
        %dma_wait3A_113 = tpu.memref_slice %arg6[%add3A_105, %dma_wait3A_112] : memref<327680x128xf32, #tpu.memory_space<hbm>> -> memref<512x128xf32, #tpu.memory_space<hbm>>
        tpu.wait_dma2 semaphore(%run_scoped3A : memref<!tpu.dma_semaphore, #tpu.memory_space<semaphore_mem>>) src(%arg10 : memref<512x128xf32, #tpu.memory_space<vmem>>) dst(%dma_wait3A_113 : memref<512x128xf32, #tpu.memory_space<hbm>>)
        tpu.yield
      }) : () -> ()
    }
    %scan3A_7 = arith.constant 20 : i32
    %scan3A_8 = arith.constant 0 : i32
    %scan3A_9 = arith.constant 0 : i32
    %scan3A_10 = arith.constant 20 : i32
    %scan3A_11 = arith.addi %scan3A_9, %scan3A_10 : i32
    %scan3A_12 = arith.constant 1 : i32
    scf.for %scan3A_14 = %scan3A_9 to %scan3A_11 step %scan3A_12  : i32 {
      %mul3A_15 = arith.constant 4 : i32
      %mul3A_16 = arith.muli %scan3A_14, %mul3A_15 : i32
      %add3A_17 = arith.constant 0 : i32
      %add3A_18 = arith.addi %mul3A_16, %add3A_17 : i32
      %dma_start3A = arith.constant 0 : i32
      %dma_start3A_19 = arith.constant 0 : i32
      %dma_start3A_20 = tpu.memref_slice %arg10[%dma_start3A, %dma_start3A_19] : memref<512x128xf32, #tpu.memory_space<vmem>> -> memref<128x128xf32, #tpu.memory_space<vmem>>
      %dma_start3A_21 = arith.constant 0 : i32
      %dma_start3A_22 = tpu.memref_slice %arg9[%add3A_18, %dma_start3A_21] : memref<80x128xi32, #tpu.memory_space<vmem>> -> memref<1x128xi32, #tpu.memory_space<vmem>>
      %dma_start3A_23 = tpu.memref_squeeze %dma_start3A_22 : memref<1x128xi32, #tpu.memory_space<vmem>> -> memref<128xi32, #tpu.memory_space<vmem>>
      %dma_start3A_24 = arith.constant 0 : i32
      %dma_start3A_25 = arith.constant 0 : i32
      %dma_start3A_26 = tpu.memref_slice %arg5[%dma_start3A_24, %dma_start3A_25] : memref<10240x128xf32, #tpu.memory_space<hbm>> -> memref<10240x128xf32, #tpu.memory_space<hbm>>
      tpu.enqueue_indirect_dma source(%dma_start3A_26 : memref<10240x128xf32, #tpu.memory_space<hbm>>) target(%dma_start3A_20 : memref<128x128xf32, #tpu.memory_space<vmem>>) offsets(%dma_start3A_23 : memref<128xi32, #tpu.memory_space<vmem>>) semaphore(%arg11 : memref<!tpu.dma_semaphore, #tpu.memory_space<semaphore_mem>>)
      %mul3A_27 = arith.constant 4 : i32
      %mul3A_28 = arith.muli %scan3A_14, %mul3A_27 : i32
      %add3A_29 = arith.constant 1 : i32
      %add3A_30 = arith.addi %mul3A_28, %add3A_29 : i32
      %dma_start3A_31 = arith.constant 128 : i32
      %dma_start3A_32 = arith.constant 0 : i32
      %dma_start3A_33 = tpu.memref_slice %arg10[%dma_start3A_31, %dma_start3A_32] : memref<512x128xf32, #tpu.memory_space<vmem>> -> memref<128x128xf32, #tpu.memory_space<vmem>>
      %dma_start3A_34 = arith.constant 0 : i32
      %dma_start3A_35 = tpu.memref_slice %arg9[%add3A_30, %dma_start3A_34] : memref<80x128xi32, #tpu.memory_space<vmem>> -> memref<1x128xi32, #tpu.memory_space<vmem>>
      %dma_start3A_36 = tpu.memref_squeeze %dma_start3A_35 : memref<1x128xi32, #tpu.memory_space<vmem>> -> memref<128xi32, #tpu.memory_space<vmem>>
      %dma_start3A_37 = arith.constant 0 : i32
      %dma_start3A_38 = arith.constant 0 : i32
      %dma_start3A_39 = tpu.memref_slice %arg5[%dma_start3A_37, %dma_start3A_38] : memref<10240x128xf32, #tpu.memory_space<hbm>> -> memref<10240x128xf32, #tpu.memory_space<hbm>>
      tpu.enqueue_indirect_dma source(%dma_start3A_39 : memref<10240x128xf32, #tpu.memory_space<hbm>>) target(%dma_start3A_33 : memref<128x128xf32, #tpu.memory_space<vmem>>) offsets(%dma_start3A_36 : memref<128xi32, #tpu.memory_space<vmem>>) semaphore(%arg11 : memref<!tpu.dma_semaphore, #tpu.memory_space<semaphore_mem>>)
      %mul3A_40 = arith.constant 4 : i32
      %mul3A_41 = arith.muli %scan3A_14, %mul3A_40 : i32
      %add3A_42 = arith.constant 2 : i32
      %add3A_43 = arith.addi %mul3A_41, %add3A_42 : i32
      %dma_start3A_44 = arith.constant 256 : i32
      %dma_start3A_45 = arith.constant 0 : i32
      %dma_start3A_46 = tpu.memref_slice %arg10[%dma_start3A_44, %dma_start3A_45] : memref<512x128xf32, #tpu.memory_space<vmem>> -> memref<128x128xf32, #tpu.memory_space<vmem>>
      %dma_start3A_47 = arith.constant 0 : i32
      %dma_start3A_48 = tpu.memref_slice %arg9[%add3A_43, %dma_start3A_47] : memref<80x128xi32, #tpu.memory_space<vmem>> -> memref<1x128xi32, #tpu.memory_space<vmem>>
      %dma_start3A_49 = tpu.memref_squeeze %dma_start3A_48 : memref<1x128xi32, #tpu.memory_space<vmem>> -> memref<128xi32, #tpu.memory_space<vmem>>
      %dma_start3A_50 = arith.constant 0 : i32
      %dma_start3A_51 = arith.constant 0 : i32
      %dma_start3A_52 = tpu.memref_slice %arg5[%dma_start3A_50, %dma_start3A_51] : memref<10240x128xf32, #tpu.memory_space<hbm>> -> memref<10240x128xf32, #tpu.memory_space<hbm>>
      tpu.enqueue_indirect_dma source(%dma_start3A_52 : memref<10240x128xf32, #tpu.memory_space<hbm>>) target(%dma_start3A_46 : memref<128x128xf32, #tpu.memory_space<vmem>>) offsets(%dma_start3A_49 : memref<128xi32, #tpu.memory_space<vmem>>) semaphore(%arg11 : memref<!tpu.dma_semaphore, #tpu.memory_space<semaphore_mem>>)
      %mul3A_53 = arith.constant 4 : i32
      %mul3A_54 = arith.muli %scan3A_14, %mul3A_53 : i32
      %add3A_55 = arith.constant 3 : i32
      %add3A_56 = arith.addi %mul3A_54, %add3A_55 : i32
      %dma_start3A_57 = arith.constant 384 : i32
      %dma_start3A_58 = arith.constant 0 : i32
      %dma_start3A_59 = tpu.memref_slice %arg10[%dma_start3A_57, %dma_start3A_58] : memref<512x128xf32, #tpu.memory_space<vmem>> -> memref<128x128xf32, #tpu.memory_space<vmem>>
      %dma_start3A_60 = arith.constant 0 : i32
      %dma_start3A_61 = tpu.memref_slice %arg9[%add3A_56, %dma_start3A_60] : memref<80x128xi32, #tpu.memory_space<vmem>> -> memref<1x128xi32, #tpu.memory_space<vmem>>
      %dma_start3A_62 = tpu.memref_squeeze %dma_start3A_61 : memref<1x128xi32, #tpu.memory_space<vmem>> -> memref<128xi32, #tpu.memory_space<vmem>>
      %dma_start3A_63 = arith.constant 0 : i32
      %dma_start3A_64 = arith.constant 0 : i32
      %dma_start3A_65 = tpu.memref_slice %arg5[%dma_start3A_63, %dma_start3A_64] : memref<10240x128xf32, #tpu.memory_space<hbm>> -> memref<10240x128xf32, #tpu.memory_space<hbm>>
      tpu.enqueue_indirect_dma source(%dma_start3A_65 : memref<10240x128xf32, #tpu.memory_space<hbm>>) target(%dma_start3A_59 : memref<128x128xf32, #tpu.memory_space<vmem>>) offsets(%dma_start3A_62 : memref<128xi32, #tpu.memory_space<vmem>>) semaphore(%arg11 : memref<!tpu.dma_semaphore, #tpu.memory_space<semaphore_mem>>)
      %dma_wait3A = arith.constant 0 : i32
      %dma_wait3A_66 = arith.constant 0 : i32
      %dma_wait3A_67 = tpu.memref_slice %arg10[%dma_wait3A, %dma_wait3A_66] : memref<512x128xf32, #tpu.memory_space<vmem>> -> memref<128x128xf32, #tpu.memory_space<vmem>>
      %dma_wait3A_68 = arith.constant 0 : i32
      %dma_wait3A_69 = tpu.memref_slice %arg9[%add3A_18, %dma_wait3A_68] : memref<80x128xi32, #tpu.memory_space<vmem>> -> memref<1x128xi32, #tpu.memory_space<vmem>>
      %dma_wait3A_70 = tpu.memref_squeeze %dma_wait3A_69 : memref<1x128xi32, #tpu.memory_space<vmem>> -> memref<128xi32, #tpu.memory_space<vmem>>
      %dma_wait3A_71 = arith.constant 0 : i32
      %dma_wait3A_72 = arith.constant 0 : i32
      %dma_wait3A_73 = tpu.memref_slice %arg5[%dma_wait3A_71, %dma_wait3A_72] : memref<10240x128xf32, #tpu.memory_space<hbm>> -> memref<10240x128xf32, #tpu.memory_space<hbm>>
      tpu.wait_indirect_dma semaphore(%arg11 : memref<!tpu.dma_semaphore, #tpu.memory_space<semaphore_mem>>) src(%dma_wait3A_73 : memref<10240x128xf32, #tpu.memory_space<hbm>>) dst(%dma_wait3A_67 : memref<128x128xf32, #tpu.memory_space<vmem>>)
      %dma_wait3A_74 = arith.constant 128 : i32
      %dma_wait3A_75 = arith.constant 0 : i32
      %dma_wait3A_76 = tpu.memref_slice %arg10[%dma_wait3A_74, %dma_wait3A_75] : memref<512x128xf32, #tpu.memory_space<vmem>> -> memref<128x128xf32, #tpu.memory_space<vmem>>
      %dma_wait3A_77 = arith.constant 0 : i32
      %dma_wait3A_78 = tpu.memref_slice %arg9[%add3A_30, %dma_wait3A_77] : memref<80x128xi32, #tpu.memory_space<vmem>> -> memref<1x128xi32, #tpu.memory_space<vmem>>
      %dma_wait3A_79 = tpu.memref_squeeze %dma_wait3A_78 : memref<1x128xi32, #tpu.memory_space<vmem>> -> memref<128xi32, #tpu.memory_space<vmem>>
      %dma_wait3A_80 = arith.constant 0 : i32
      %dma_wait3A_81 = arith.constant 0 : i32
      %dma_wait3A_82 = tpu.memref_slice %arg5[%dma_wait3A_80, %dma_wait3A_81] : memref<10240x128xf32, #tpu.memory_space<hbm>> -> memref<10240x128xf32, #tpu.memory_space<hbm>>
      tpu.wait_indirect_dma semaphore(%arg11 : memref<!tpu.dma_semaphore, #tpu.memory_space<semaphore_mem>>) src(%dma_wait3A_82 : memref<10240x128xf32, #tpu.memory_space<hbm>>) dst(%dma_wait3A_76 : memref<128x128xf32, #tpu.memory_space<vmem>>)
      %dma_wait3A_83 = arith.constant 256 : i32
      %dma_wait3A_84 = arith.constant 0 : i32
      %dma_wait3A_85 = tpu.memref_slice %arg10[%dma_wait3A_83, %dma_wait3A_84] : memref<512x128xf32, #tpu.memory_space<vmem>> -> memref<128x128xf32, #tpu.memory_space<vmem>>
      %dma_wait3A_86 = arith.constant 0 : i32
      %dma_wait3A_87 = tpu.memref_slice %arg9[%add3A_43, %dma_wait3A_86] : memref<80x128xi32, #tpu.memory_space<vmem>> -> memref<1x128xi32, #tpu.memory_space<vmem>>
      %dma_wait3A_88 = tpu.memref_squeeze %dma_wait3A_87 : memref<1x128xi32, #tpu.memory_space<vmem>> -> memref<128xi32, #tpu.memory_space<vmem>>
      %dma_wait3A_89 = arith.constant 0 : i32
      %dma_wait3A_90 = arith.constant 0 : i32
      %dma_wait3A_91 = tpu.memref_slice %arg5[%dma_wait3A_89, %dma_wait3A_90] : memref<10240x128xf32, #tpu.memory_space<hbm>> -> memref<10240x128xf32, #tpu.memory_space<hbm>>
      tpu.wait_indirect_dma semaphore(%arg11 : memref<!tpu.dma_semaphore, #tpu.memory_space<semaphore_mem>>) src(%dma_wait3A_91 : memref<10240x128xf32, #tpu.memory_space<hbm>>) dst(%dma_wait3A_85 : memref<128x128xf32, #tpu.memory_space<vmem>>)
      %dma_wait3A_92 = arith.constant 384 : i32
      %dma_wait3A_93 = arith.constant 0 : i32
      %dma_wait3A_94 = tpu.memref_slice %arg10[%dma_wait3A_92, %dma_wait3A_93] : memref<512x128xf32, #tpu.memory_space<vmem>> -> memref<128x128xf32, #tpu.memory_space<vmem>>
      %dma_wait3A_95 = arith.constant 0 : i32
      %dma_wait3A_96 = tpu.memref_slice %arg9[%add3A_56, %dma_wait3A_95] : memref<80x128xi32, #tpu.memory_space<vmem>> -> memref<1x128xi32, #tpu.memory_space<vmem>>
      %dma_wait3A_97 = tpu.memref_squeeze %dma_wait3A_96 : memref<1x128xi32, #tpu.memory_space<vmem>> -> memref<128xi32, #tpu.memory_space<vmem>>
      %dma_wait3A_98 = arith.constant 0 : i32
      %dma_wait3A_99 = arith.constant 0 : i32
      %dma_wait3A_100 = tpu.memref_slice %arg5[%dma_wait3A_98, %dma_wait3A_99] : memref<10240x128xf32, #tpu.memory_space<hbm>> -> memref<10240x128xf32, #tpu.memory_space<hbm>>
      tpu.wait_indirect_dma semaphore(%arg11 : memref<!tpu.dma_semaphore, #tpu.memory_space<semaphore_mem>>) src(%dma_wait3A_100 : memref<10240x128xf32, #tpu.memory_space<hbm>>) dst(%dma_wait3A_94 : memref<128x128xf32, #tpu.memory_space<vmem>>)
      %mul3A_101 = arith.constant 4 : i32
      %mul3A_102 = arith.muli %scan3A_14, %mul3A_101 : i32
      %mul3A_103 = arith.constant 128 : i32
      %mul3A_104 = arith.muli %mul3A_102, %mul3A_103 : i32
      %add3A_105 = arith.addi %mul3A_2, %mul3A_104 : i32
      "tpu.region"() ({
        %run_scoped3A = tpu.sem_alloc : memref<!tpu.dma_semaphore, #tpu.memory_space<semaphore_mem>>
        %dma_start3A_106 = arith.constant 0 : i32
        %dma_start3A_107 = tpu.memref_slice %arg7[%add3A_105, %dma_start3A_106] : memref<327680x128xf32, #tpu.memory_space<hbm>> -> memref<512x128xf32, #tpu.memory_space<hbm>>
        %dma_start3A_108 = arith.constant 0 : i32
        %dma_start3A_109 = tpu.memref_slice %arg7[%add3A_105, %dma_start3A_108] : memref<327680x128xf32, #tpu.memory_space<hbm>> -> memref<512x128xf32, #tpu.memory_space<hbm>>
        tpu.enqueue_dma source(%arg10 : memref<512x128xf32, #tpu.memory_space<vmem>>) target(%dma_start3A_109 : memref<512x128xf32, #tpu.memory_space<hbm>>) target_semaphore(%run_scoped3A : memref<!tpu.dma_semaphore, #tpu.memory_space<semaphore_mem>>)
        %dma_wait3A_110 = arith.constant 0 : i32
        %dma_wait3A_111 = tpu.memref_slice %arg7[%add3A_105, %dma_wait3A_110] : memref<327680x128xf32, #tpu.memory_space<hbm>> -> memref<512x128xf32, #tpu.memory_space<hbm>>
        %dma_wait3A_112 = arith.constant 0 : i32
        %dma_wait3A_113 = tpu.memref_slice %arg7[%add3A_105, %dma_wait3A_112] : memref<327680x128xf32, #tpu.memory_space<hbm>> -> memref<512x128xf32, #tpu.memory_space<hbm>>
        tpu.wait_dma2 semaphore(%run_scoped3A : memref<!tpu.dma_semaphore, #tpu.memory_space<semaphore_mem>>) src(%arg10 : memref<512x128xf32, #tpu.memory_space<vmem>>) dst(%dma_wait3A_113 : memref<512x128xf32, #tpu.memory_space<hbm>>)
        tpu.yield
      }) : () -> ()
    }
    %scan3A_13 = arith.constant 20 : i32
    return
  }
}

#map = affine_map<(d0, d1) -> (0, 0, 0)>
#map1 = affine_map<(d0, d1) -> (0, 0)>
module attributes {stable_mosaic.version = 14 : i64} {
  func.func @_sc_scatter_u_body(%arg0: i32, %arg1: i32, %arg2: memref<32x80x128xi32, #tpu.memory_space<hbm>>, %arg3: memref<327680x128xf32, #tpu.memory_space<hbm>>, %arg4: memref<640x128xf32, #tpu.memory_space<hbm>>, %arg5: memref<2x10240x128xf32, #tpu.memory_space<hbm>>, %arg6: memref<80x128xi32, #tpu.memory_space<vmem>>, %arg7: memref<128x128xf32, #tpu.memory_space<vmem>>, %arg8: memref<128x128xf32, #tpu.memory_space<vmem>>, %arg9: memref<10240x128xf32, #tpu.memory_space<vmem_shared>>, %arg10: memref<!tpu.dma_semaphore, #tpu.memory_space<semaphore_mem>>, %arg11: memref<!tpu.dma_semaphore, #tpu.memory_space<semaphore_mem>>) attributes {dimension_semantics = [#tpu.dimension_semantics<core_parallel>, #tpu.dimension_semantics<subcore_parallel>], iteration_bounds = array<i64: 2, 16>, scalar_prefetch = 0 : i64, scratch_operands = 6 : i64, tpu.core_type = #tpu.core_type<sc_vector_subcore>, window_params = [{transform_indices = #map}, {transform_indices = #map1}, {transform_indices = #map1}, {transform_indices = #map}]} {
    %mul3A = arith.constant 2 : i32
    %mul3A_0 = arith.muli %arg1, %mul3A : i32
    %add3A = arith.addi %mul3A_0, %arg0 : i32
    %mul3A_1 = arith.constant 10240 : i32
    %mul3A_2 = arith.muli %add3A, %mul3A_1 : i32
    %mul3A_3 = arith.constant 640 : i32
    %mul3A_4 = arith.muli %arg1, %mul3A_3 : i32
    "tpu.region"() ({
      %run_scoped3A = tpu.sem_alloc : memref<!tpu.dma_semaphore, #tpu.memory_space<semaphore_mem>>
      %dma_start3A = arith.constant 0 : i32
      %dma_start3A_11 = tpu.memref_slice %arg9[%mul3A_4, %dma_start3A] : memref<10240x128xf32, #tpu.memory_space<vmem_shared>> -> memref<640x128xf32, #tpu.memory_space<vmem_shared>>
      tpu.enqueue_dma source(%arg4 : memref<640x128xf32, #tpu.memory_space<hbm>>) target(%dma_start3A_11 : memref<640x128xf32, #tpu.memory_space<vmem_shared>>) target_semaphore(%run_scoped3A : memref<!tpu.dma_semaphore, #tpu.memory_space<semaphore_mem>>)
      %dma_wait3A = arith.constant 0 : i32
      %dma_wait3A_12 = tpu.memref_slice %arg9[%mul3A_4, %dma_wait3A] : memref<10240x128xf32, #tpu.memory_space<vmem_shared>> -> memref<640x128xf32, #tpu.memory_space<vmem_shared>>
      tpu.wait_dma2 semaphore(%run_scoped3A : memref<!tpu.dma_semaphore, #tpu.memory_space<semaphore_mem>>) src(%arg4 : memref<640x128xf32, #tpu.memory_space<hbm>>) dst(%dma_wait3A_12 : memref<640x128xf32, #tpu.memory_space<vmem_shared>>)
      tpu.yield
    }) : () -> ()
    "tpu.region"() ({
      %run_scoped3A = tpu.sem_alloc : memref<!tpu.dma_semaphore, #tpu.memory_space<semaphore_mem>>
      %dma_start3A = arith.constant 0 : i32
      %dma_start3A_11 = arith.constant 0 : i32
      %dma_start3A_12 = tpu.memref_slice %arg2[%add3A, %dma_start3A, %dma_start3A_11] : memref<32x80x128xi32, #tpu.memory_space<hbm>> -> memref<1x80x128xi32, #tpu.memory_space<hbm>>
      %dma_start3A_13 = tpu.memref_squeeze %dma_start3A_12 : memref<1x80x128xi32, #tpu.memory_space<hbm>> -> memref<80x128xi32, #tpu.memory_space<hbm>>
      %dma_start3A_14 = arith.constant 0 : i32
      %dma_start3A_15 = arith.constant 0 : i32
      %dma_start3A_16 = tpu.memref_slice %arg2[%add3A, %dma_start3A_14, %dma_start3A_15] : memref<32x80x128xi32, #tpu.memory_space<hbm>> -> memref<1x80x128xi32, #tpu.memory_space<hbm>>
      %dma_start3A_17 = tpu.memref_squeeze %dma_start3A_16 : memref<1x80x128xi32, #tpu.memory_space<hbm>> -> memref<80x128xi32, #tpu.memory_space<hbm>>
      tpu.enqueue_dma source(%dma_start3A_17 : memref<80x128xi32, #tpu.memory_space<hbm>>) target(%arg6 : memref<80x128xi32, #tpu.memory_space<vmem>>) target_semaphore(%run_scoped3A : memref<!tpu.dma_semaphore, #tpu.memory_space<semaphore_mem>>)
      %dma_wait3A = arith.constant 0 : i32
      %dma_wait3A_18 = arith.constant 0 : i32
      %dma_wait3A_19 = tpu.memref_slice %arg2[%add3A, %dma_wait3A, %dma_wait3A_18] : memref<32x80x128xi32, #tpu.memory_space<hbm>> -> memref<1x80x128xi32, #tpu.memory_space<hbm>>
      %dma_wait3A_20 = tpu.memref_squeeze %dma_wait3A_19 : memref<1x80x128xi32, #tpu.memory_space<hbm>> -> memref<80x128xi32, #tpu.memory_space<hbm>>
      %dma_wait3A_21 = arith.constant 0 : i32
      %dma_wait3A_22 = arith.constant 0 : i32
      %dma_wait3A_23 = tpu.memref_slice %arg2[%add3A, %dma_wait3A_21, %dma_wait3A_22] : memref<32x80x128xi32, #tpu.memory_space<hbm>> -> memref<1x80x128xi32, #tpu.memory_space<hbm>>
      %dma_wait3A_24 = tpu.memref_squeeze %dma_wait3A_23 : memref<1x80x128xi32, #tpu.memory_space<hbm>> -> memref<80x128xi32, #tpu.memory_space<hbm>>
      tpu.wait_dma2 semaphore(%run_scoped3A : memref<!tpu.dma_semaphore, #tpu.memory_space<semaphore_mem>>) src(%dma_wait3A_24 : memref<80x128xi32, #tpu.memory_space<hbm>>) dst(%arg6 : memref<80x128xi32, #tpu.memory_space<vmem>>)
      tpu.yield
    }) : () -> ()
    %barrier3A = arith.constant 0 : index
    tpu.barrier barrier_id(%barrier3A)
    %scan3A = arith.constant 0 : i32
    %scan3A_5 = arith.constant 0 : i32
    %scan3A_6 = arith.constant 40 : i32
    %scan3A_7 = arith.addi %scan3A_5, %scan3A_6 : i32
    %scan3A_8 = arith.constant 1 : i32
    scf.for %scan3A_11 = %scan3A_5 to %scan3A_7 step %scan3A_8  : i32 {
      %mul3A_12 = arith.constant 2 : i32
      %mul3A_13 = arith.muli %scan3A_11, %mul3A_12 : i32
      %mul3A_14 = arith.constant 128 : i32
      %mul3A_15 = arith.muli %mul3A_13, %mul3A_14 : i32
      %add3A_16 = arith.addi %mul3A_2, %mul3A_15 : i32
      %dma_start3A = arith.constant 0 : i32
      %dma_start3A_17 = tpu.memref_slice %arg3[%add3A_16, %dma_start3A] : memref<327680x128xf32, #tpu.memory_space<hbm>> -> memref<128x128xf32, #tpu.memory_space<hbm>>
      %dma_start3A_18 = arith.constant 0 : i32
      %dma_start3A_19 = tpu.memref_slice %arg3[%add3A_16, %dma_start3A_18] : memref<327680x128xf32, #tpu.memory_space<hbm>> -> memref<128x128xf32, #tpu.memory_space<hbm>>
      tpu.enqueue_dma source(%dma_start3A_19 : memref<128x128xf32, #tpu.memory_space<hbm>>) target(%arg7 : memref<128x128xf32, #tpu.memory_space<vmem>>) target_semaphore(%arg10 : memref<!tpu.dma_semaphore, #tpu.memory_space<semaphore_mem>>)
      %dma_wait3A = arith.constant 0 : i32
      %dma_wait3A_20 = tpu.memref_slice %arg3[%add3A_16, %dma_wait3A] : memref<327680x128xf32, #tpu.memory_space<hbm>> -> memref<128x128xf32, #tpu.memory_space<hbm>>
      %dma_wait3A_21 = arith.constant 0 : i32
      %dma_wait3A_22 = tpu.memref_slice %arg3[%add3A_16, %dma_wait3A_21] : memref<327680x128xf32, #tpu.memory_space<hbm>> -> memref<128x128xf32, #tpu.memory_space<hbm>>
      tpu.wait_dma2 semaphore(%arg10 : memref<!tpu.dma_semaphore, #tpu.memory_space<semaphore_mem>>) src(%dma_wait3A_22 : memref<128x128xf32, #tpu.memory_space<hbm>>) dst(%arg7 : memref<128x128xf32, #tpu.memory_space<vmem>>)
      %mul3A_23 = arith.constant 2 : i32
      %mul3A_24 = arith.muli %mul3A_23, %scan3A_11 : i32
      "tpu.region"() ({
        %run_scoped3A = tpu.sem_alloc : memref<!tpu.dma_semaphore, #tpu.memory_space<semaphore_mem>>
        %dma_start3A_44 = arith.constant 0 : i32
        %dma_start3A_45 = tpu.memref_slice %arg6[%mul3A_24, %dma_start3A_44] : memref<80x128xi32, #tpu.memory_space<vmem>> -> memref<1x128xi32, #tpu.memory_space<vmem>>
        %dma_start3A_46 = tpu.memref_squeeze %dma_start3A_45 : memref<1x128xi32, #tpu.memory_space<vmem>> -> memref<128xi32, #tpu.memory_space<vmem>>
        %dma_start3A_47 = arith.constant 0 : i32
        %dma_start3A_48 = arith.constant 0 : i32
        %dma_start3A_49 = tpu.memref_slice %arg9[%dma_start3A_47, %dma_start3A_48] : memref<10240x128xf32, #tpu.memory_space<vmem_shared>> -> memref<10240x128xf32, #tpu.memory_space<vmem_shared>>
        tpu.enqueue_indirect_dma source(%arg7 : memref<128x128xf32, #tpu.memory_space<vmem>>) target(%dma_start3A_49 : memref<10240x128xf32, #tpu.memory_space<vmem_shared>>) offsets(%dma_start3A_46 : memref<128xi32, #tpu.memory_space<vmem>>) semaphore(%run_scoped3A : memref<!tpu.dma_semaphore, #tpu.memory_space<semaphore_mem>>) {add = true}
        %dma_wait3A_50 = arith.constant 0 : i32
        %dma_wait3A_51 = tpu.memref_slice %arg6[%mul3A_24, %dma_wait3A_50] : memref<80x128xi32, #tpu.memory_space<vmem>> -> memref<1x128xi32, #tpu.memory_space<vmem>>
        %dma_wait3A_52 = tpu.memref_squeeze %dma_wait3A_51 : memref<1x128xi32, #tpu.memory_space<vmem>> -> memref<128xi32, #tpu.memory_space<vmem>>
        %dma_wait3A_53 = arith.constant 0 : i32
        %dma_wait3A_54 = arith.constant 0 : i32
        %dma_wait3A_55 = tpu.memref_slice %arg9[%dma_wait3A_53, %dma_wait3A_54] : memref<10240x128xf32, #tpu.memory_space<vmem_shared>> -> memref<10240x128xf32, #tpu.memory_space<vmem_shared>>
        tpu.wait_indirect_dma semaphore(%run_scoped3A : memref<!tpu.dma_semaphore, #tpu.memory_space<semaphore_mem>>) src(%arg7 : memref<128x128xf32, #tpu.memory_space<vmem>>) dst(%dma_wait3A_55 : memref<10240x128xf32, #tpu.memory_space<vmem_shared>>)
        tpu.yield
      }) : () -> ()
      %mul3A_25 = arith.constant 2 : i32
      %mul3A_26 = arith.muli %mul3A_25, %scan3A_11 : i32
      %add3A_27 = arith.constant 1 : i32
      %add3A_28 = arith.addi %mul3A_26, %add3A_27 : i32
      %mul3A_29 = arith.constant 128 : i32
      %mul3A_30 = arith.muli %add3A_28, %mul3A_29 : i32
      %add3A_31 = arith.addi %mul3A_2, %mul3A_30 : i32
      %dma_start3A_32 = arith.constant 0 : i32
      %dma_start3A_33 = tpu.memref_slice %arg3[%add3A_31, %dma_start3A_32] : memref<327680x128xf32, #tpu.memory_space<hbm>> -> memref<128x128xf32, #tpu.memory_space<hbm>>
      %dma_start3A_34 = arith.constant 0 : i32
      %dma_start3A_35 = tpu.memref_slice %arg3[%add3A_31, %dma_start3A_34] : memref<327680x128xf32, #tpu.memory_space<hbm>> -> memref<128x128xf32, #tpu.memory_space<hbm>>
      tpu.enqueue_dma source(%dma_start3A_35 : memref<128x128xf32, #tpu.memory_space<hbm>>) target(%arg8 : memref<128x128xf32, #tpu.memory_space<vmem>>) target_semaphore(%arg11 : memref<!tpu.dma_semaphore, #tpu.memory_space<semaphore_mem>>)
      %dma_wait3A_36 = arith.constant 0 : i32
      %dma_wait3A_37 = tpu.memref_slice %arg3[%add3A_31, %dma_wait3A_36] : memref<327680x128xf32, #tpu.memory_space<hbm>> -> memref<128x128xf32, #tpu.memory_space<hbm>>
      %dma_wait3A_38 = arith.constant 0 : i32
      %dma_wait3A_39 = tpu.memref_slice %arg3[%add3A_31, %dma_wait3A_38] : memref<327680x128xf32, #tpu.memory_space<hbm>> -> memref<128x128xf32, #tpu.memory_space<hbm>>
      tpu.wait_dma2 semaphore(%arg11 : memref<!tpu.dma_semaphore, #tpu.memory_space<semaphore_mem>>) src(%dma_wait3A_39 : memref<128x128xf32, #tpu.memory_space<hbm>>) dst(%arg8 : memref<128x128xf32, #tpu.memory_space<vmem>>)
      %mul3A_40 = arith.constant 2 : i32
      %mul3A_41 = arith.muli %mul3A_40, %scan3A_11 : i32
      %add3A_42 = arith.constant 1 : i32
      %add3A_43 = arith.addi %mul3A_41, %add3A_42 : i32
      "tpu.region"() ({
        %run_scoped3A = tpu.sem_alloc : memref<!tpu.dma_semaphore, #tpu.memory_space<semaphore_mem>>
        %dma_start3A_44 = arith.constant 0 : i32
        %dma_start3A_45 = tpu.memref_slice %arg6[%add3A_43, %dma_start3A_44] : memref<80x128xi32, #tpu.memory_space<vmem>> -> memref<1x128xi32, #tpu.memory_space<vmem>>
        %dma_start3A_46 = tpu.memref_squeeze %dma_start3A_45 : memref<1x128xi32, #tpu.memory_space<vmem>> -> memref<128xi32, #tpu.memory_space<vmem>>
        %dma_start3A_47 = arith.constant 0 : i32
        %dma_start3A_48 = arith.constant 0 : i32
        %dma_start3A_49 = tpu.memref_slice %arg9[%dma_start3A_47, %dma_start3A_48] : memref<10240x128xf32, #tpu.memory_space<vmem_shared>> -> memref<10240x128xf32, #tpu.memory_space<vmem_shared>>
        tpu.enqueue_indirect_dma source(%arg8 : memref<128x128xf32, #tpu.memory_space<vmem>>) target(%dma_start3A_49 : memref<10240x128xf32, #tpu.memory_space<vmem_shared>>) offsets(%dma_start3A_46 : memref<128xi32, #tpu.memory_space<vmem>>) semaphore(%run_scoped3A : memref<!tpu.dma_semaphore, #tpu.memory_space<semaphore_mem>>) {add = true}
        %dma_wait3A_50 = arith.constant 0 : i32
        %dma_wait3A_51 = tpu.memref_slice %arg6[%add3A_43, %dma_wait3A_50] : memref<80x128xi32, #tpu.memory_space<vmem>> -> memref<1x128xi32, #tpu.memory_space<vmem>>
        %dma_wait3A_52 = tpu.memref_squeeze %dma_wait3A_51 : memref<1x128xi32, #tpu.memory_space<vmem>> -> memref<128xi32, #tpu.memory_space<vmem>>
        %dma_wait3A_53 = arith.constant 0 : i32
        %dma_wait3A_54 = arith.constant 0 : i32
        %dma_wait3A_55 = tpu.memref_slice %arg9[%dma_wait3A_53, %dma_wait3A_54] : memref<10240x128xf32, #tpu.memory_space<vmem_shared>> -> memref<10240x128xf32, #tpu.memory_space<vmem_shared>>
        tpu.wait_indirect_dma semaphore(%run_scoped3A : memref<!tpu.dma_semaphore, #tpu.memory_space<semaphore_mem>>) src(%arg8 : memref<128x128xf32, #tpu.memory_space<vmem>>) dst(%dma_wait3A_55 : memref<10240x128xf32, #tpu.memory_space<vmem_shared>>)
        tpu.yield
      }) : () -> ()
    }
    %scan3A_9 = arith.constant 40 : i32
    %barrier3A_10 = arith.constant 0 : index
    tpu.barrier barrier_id(%barrier3A_10)
    "tpu.region"() ({
      %run_scoped3A = tpu.sem_alloc : memref<!tpu.dma_semaphore, #tpu.memory_space<semaphore_mem>>
      %dma_start3A = arith.constant 0 : i32
      %dma_start3A_11 = tpu.memref_slice %arg5[%arg0, %mul3A_4, %dma_start3A] : memref<2x10240x128xf32, #tpu.memory_space<hbm>> -> memref<1x640x128xf32, #tpu.memory_space<hbm>>
      %dma_start3A_12 = tpu.memref_squeeze %dma_start3A_11 : memref<1x640x128xf32, #tpu.memory_space<hbm>> -> memref<640x128xf32, #tpu.memory_space<hbm>>
      %dma_start3A_13 = arith.constant 0 : i32
      %dma_start3A_14 = tpu.memref_slice %arg9[%mul3A_4, %dma_start3A_13] : memref<10240x128xf32, #tpu.memory_space<vmem_shared>> -> memref<640x128xf32, #tpu.memory_space<vmem_shared>>
      tpu.enqueue_dma source(%dma_start3A_14 : memref<640x128xf32, #tpu.memory_space<vmem_shared>>) target(%dma_start3A_12 : memref<640x128xf32, #tpu.memory_space<hbm>>) target_semaphore(%run_scoped3A : memref<!tpu.dma_semaphore, #tpu.memory_space<semaphore_mem>>)
      %dma_wait3A = arith.constant 0 : i32
      %dma_wait3A_15 = tpu.memref_slice %arg5[%arg0, %mul3A_4, %dma_wait3A] : memref<2x10240x128xf32, #tpu.memory_space<hbm>> -> memref<1x640x128xf32, #tpu.memory_space<hbm>>
      %dma_wait3A_16 = tpu.memref_squeeze %dma_wait3A_15 : memref<1x640x128xf32, #tpu.memory_space<hbm>> -> memref<640x128xf32, #tpu.memory_space<hbm>>
      %dma_wait3A_17 = arith.constant 0 : i32
      %dma_wait3A_18 = tpu.memref_slice %arg9[%mul3A_4, %dma_wait3A_17] : memref<10240x128xf32, #tpu.memory_space<vmem_shared>> -> memref<640x128xf32, #tpu.memory_space<vmem_shared>>
      tpu.wait_dma2 semaphore(%run_scoped3A : memref<!tpu.dma_semaphore, #tpu.memory_space<semaphore_mem>>) src(%dma_wait3A_18 : memref<640x128xf32, #tpu.memory_space<vmem_shared>>) dst(%dma_wait3A_16 : memref<640x128xf32, #tpu.memory_space<hbm>>)
      tpu.yield
    }) : () -> ()
    return
  }
}

module attributes {stable_mosaic.version = 14 : i64} {
  func.func @_nodeproj_body(%arg0: i32, %arg1: memref<1024x128xf32, #tpu.memory_space<vmem>>, %arg2: memref<128x128xf32, #tpu.memory_space<vmem>>, %arg3: memref<128x128xf32, #tpu.memory_space<vmem>>, %arg4: memref<1024x128xf32, #tpu.memory_space<vmem>>, %arg5: memref<1024x128xf32, #tpu.memory_space<vmem>>) attributes {dimension_semantics = [#tpu.dimension_semantics<parallel>], iteration_bounds = array<i64: 10>, scalar_prefetch = 0 : i64, scratch_operands = 0 : i64, tpu.core_type = #tpu.core_type<tc>, window_params = [{transform_indices = @transform_0, window_bounds = array<i64: 1024, 128>}, {pipeline_mode = #tpu.pipeline_mode<synchronous>, transform_indices = @transform_1, window_bounds = array<i64: 128, 128>}, {pipeline_mode = #tpu.pipeline_mode<synchronous>, transform_indices = @transform_2, window_bounds = array<i64: 128, 128>}, {transform_indices = @transform_3, window_bounds = array<i64: 1024, 128>}, {transform_indices = @transform_4, window_bounds = array<i64: 1024, 128>}]} {
    %get3A = arith.constant 0 : index
    %get3A_0 = arith.constant 0 : index
    %get3A_1 = vector.load %arg1[%get3A, %get3A_0] : memref<1024x128xf32, #tpu.memory_space<vmem>>, vector<1024x128xf32>
    %get3A_2 = arith.constant 0 : index
    %get3A_3 = arith.constant 0 : index
    %get3A_4 = vector.load %arg2[%get3A_2, %get3A_3] : memref<128x128xf32, #tpu.memory_space<vmem>>, vector<128x128xf32>
    %dot_general3A = arith.constant dense<0.000000e+00> : vector<1024x128xf32>
    %dot_general3A_5 = tpu.matmul %get3A_1, %get3A_4, %dot_general3A {dimension_numbers = #tpu.dot_dimension_numbers<[1], [0], [0], [1], [0, 0, 1, 1], [], []>, transpose_lhs_hint = false} : vector<1024x128xf32>, vector<128x128xf32>, vector<1024x128xf32> -> vector<1024x128xf32>
    %swap3A = arith.constant 0 : index
    %swap3A_6 = arith.constant 0 : index
    %swap3A_7 = vector.load %arg4[%swap3A, %swap3A_6] : memref<1024x128xf32, #tpu.memory_space<vmem>>, vector<1024x128xf32>
    tpu.vector_store %arg4[%swap3A, %swap3A_6], %dot_general3A_5 {strides = array<i32>} : memref<1024x128xf32, #tpu.memory_space<vmem>>, vector<1024x128xf32>,
    %get3A_8 = arith.constant 0 : index
    %get3A_9 = arith.constant 0 : index
    %get3A_10 = vector.load %arg3[%get3A_8, %get3A_9] : memref<128x128xf32, #tpu.memory_space<vmem>>, vector<128x128xf32>
    %dot_general3A_11 = arith.constant dense<0.000000e+00> : vector<1024x128xf32>
    %dot_general3A_12 = tpu.matmul %get3A_1, %get3A_10, %dot_general3A_11 {dimension_numbers = #tpu.dot_dimension_numbers<[1], [0], [0], [1], [0, 0, 1, 1], [], []>, transpose_lhs_hint = false} : vector<1024x128xf32>, vector<128x128xf32>, vector<1024x128xf32> -> vector<1024x128xf32>
    %swap3A_13 = arith.constant 0 : index
    %swap3A_14 = arith.constant 0 : index
    %swap3A_15 = vector.load %arg5[%swap3A_13, %swap3A_14] : memref<1024x128xf32, #tpu.memory_space<vmem>>, vector<1024x128xf32>
    tpu.vector_store %arg5[%swap3A_13, %swap3A_14], %dot_general3A_12 {strides = array<i32>} : memref<1024x128xf32, #tpu.memory_space<vmem>>, vector<1024x128xf32>,
    return
  }
  func.func @transform_0(%arg0: i32) -> (i32, i32) {
    %c0_i32 = arith.constant 0 : i32
    %c0_i32_0 = arith.constant 0 : i32
    return %arg0, %c0_i32 : i32, i32
  }
  func.func @transform_1(%arg0: i32) -> (i32, i32) {
    %c0_i32 = arith.constant 0 : i32
    %c0_i32_0 = arith.constant 0 : i32
    %c0_i32_1 = arith.constant 0 : i32
    return %c0_i32, %c0_i32_0 : i32, i32
  }
  func.func @transform_2(%arg0: i32) -> (i32, i32) {
    %c0_i32 = arith.constant 0 : i32
    %c0_i32_0 = arith.constant 0 : i32
    %c0_i32_1 = arith.constant 0 : i32
    return %c0_i32, %c0_i32_0 : i32, i32
  }
  func.func @transform_3(%arg0: i32) -> (i32, i32) {
    %c0_i32 = arith.constant 0 : i32
    %c0_i32_0 = arith.constant 0 : i32
    return %arg0, %c0_i32 : i32, i32
  }
  func.func @transform_4(%arg0: i32) -> (i32, i32) {
    %c0_i32 = arith.constant 0 : i32
    %c0_i32_0 = arith.constant 0 : i32
    return %arg0, %c0_i32 : i32, i32
  }
}

module attributes {stable_mosaic.version = 14 : i64} {
  func.func @_edge_body(%arg0: i32, %arg1: memref<2048x128xf32, #tpu.memory_space<vmem>>, %arg2: memref<2048x128xf32, #tpu.memory_space<vmem>>, %arg3: memref<2048x16xf32, #tpu.memory_space<vmem>>, %arg4: memref<16x128xf32, #tpu.memory_space<vmem>>, %arg5: memref<1x128xf32, #tpu.memory_space<vmem>>, %arg6: memref<128x128xf32, #tpu.memory_space<vmem>>, %arg7: memref<1x128xf32, #tpu.memory_space<vmem>>, %arg8: memref<128x128xf32, #tpu.memory_space<vmem>>, %arg9: memref<1x128xf32, #tpu.memory_space<vmem>>, %arg10: memref<16x128xf32, #tpu.memory_space<vmem>>, %arg11: memref<1x128xf32, #tpu.memory_space<vmem>>, %arg12: memref<4x128xf32, #tpu.memory_space<vmem>>, %arg13: memref<2048x128xf32, #tpu.memory_space<vmem>>, %arg14: memref<2048x128xf32, #tpu.memory_space<vmem>>) attributes {dimension_semantics = [#tpu.dimension_semantics<parallel>], iteration_bounds = array<i64: 160>, scalar_prefetch = 0 : i64, scratch_operands = 0 : i64, tpu.core_type = #tpu.core_type<tc>, window_params = [{transform_indices = @transform_0, window_bounds = array<i64: 2048, 128>}, {transform_indices = @transform_1, window_bounds = array<i64: 2048, 128>}, {transform_indices = @transform_2, window_bounds = array<i64: 2048, 16>}, {pipeline_mode = #tpu.pipeline_mode<synchronous>, transform_indices = @transform_3, window_bounds = array<i64: 16, 128>}, {pipeline_mode = #tpu.pipeline_mode<synchronous>, transform_indices = @transform_4, window_bounds = array<i64: 1, 128>}, {pipeline_mode = #tpu.pipeline_mode<synchronous>, transform_indices = @transform_5, window_bounds = array<i64: 128, 128>}, {pipeline_mode = #tpu.pipeline_mode<synchronous>, transform_indices = @transform_6, window_bounds = array<i64: 1, 128>}, {pipeline_mode = #tpu.pipeline_mode<synchronous>, transform_indices = @transform_7, window_bounds = array<i64: 128, 128>}, {pipeline_mode = #tpu.pipeline_mode<synchronous>, transform_indices = @transform_8, window_bounds = array<i64: 1, 128>}, {pipeline_mode = #tpu.pipeline_mode<synchronous>, transform_indices = @transform_9, window_bounds = array<i64: 16, 128>}, {pipeline_mode = #tpu.pipeline_mode<synchronous>, transform_indices = @transform_10, window_bounds = array<i64: 1, 128>}, {pipeline_mode = #tpu.pipeline_mode<synchronous>, transform_indices = @transform_11, window_bounds = array<i64: 4, 128>}, {transform_indices = @transform_12, window_bounds = array<i64: 2048, 128>}, {transform_indices = @transform_13, window_bounds = array<i64: 2048, 128>}]} {
    %get3A = arith.constant 0 : index
    %get3A_0 = arith.constant 0 : index
    %get3A_1 = vector.load %arg3[%get3A, %get3A_0] : memref<2048x16xf32, #tpu.memory_space<vmem>>, vector<2048x16xf32>
    %get3A_2 = arith.constant 0 : index
    %get3A_3 = arith.constant 0 : index
    %get3A_4 = vector.load %arg1[%get3A_2, %get3A_3] : memref<2048x128xf32, #tpu.memory_space<vmem>>, vector<2048x128xf32>
    %get3A_5 = arith.constant 0 : index
    %get3A_6 = arith.constant 0 : index
    %get3A_7 = vector.load %arg2[%get3A_5, %get3A_6] : memref<2048x128xf32, #tpu.memory_space<vmem>>, vector<2048x128xf32>
    %add3A = arith.addf %get3A_4, %get3A_7 : vector<2048x128xf32>
    %get3A_8 = arith.constant 0 : index
    %get3A_9 = arith.constant 0 : index
    %get3A_10 = vector.load %arg4[%get3A_8, %get3A_9] : memref<16x128xf32, #tpu.memory_space<vmem>>, vector<16x128xf32>
    %dot_general3A = arith.constant dense<0.000000e+00> : vector<2048x128xf32>
    %dot_general3A_11 = tpu.matmul %get3A_1, %get3A_10, %dot_general3A {dimension_numbers = #tpu.dot_dimension_numbers<[1], [0], [0], [1], [0, 0, 1, 1], [], []>, transpose_lhs_hint = false} : vector<2048x16xf32>, vector<16x128xf32>, vector<2048x128xf32> -> vector<2048x128xf32>
    %add3A_12 = arith.addf %add3A, %dot_general3A_11 : vector<2048x128xf32>
    %get3A_13 = arith.constant 0 : index
    %get3A_14 = arith.constant 0 : index
    %get3A_15 = vector.load %arg5[%get3A_13, %get3A_14] : memref<1x128xf32, #tpu.memory_space<vmem>>, vector<1x128xf32>
    %add3A_16 = vector.broadcast %get3A_15 : vector<1x128xf32> to vector<2048x128xf32>
    %add3A_17 = arith.addf %add3A_12, %add3A_16 : vector<2048x128xf32>
    %max3A = arith.constant 0.000000e+00 : f32
    %max3A_18 = vector.broadcast %max3A : f32 to vector<2048x128xf32>
    %max3A_19 = arith.maximumf %add3A_17, %max3A_18 : vector<2048x128xf32>
    %get3A_20 = arith.constant 0 : index
    %get3A_21 = arith.constant 0 : index
    %get3A_22 = vector.load %arg6[%get3A_20, %get3A_21] : memref<128x128xf32, #tpu.memory_space<vmem>>, vector<128x128xf32>
    %dot_general3A_23 = arith.constant dense<0.000000e+00> : vector<2048x128xf32>
    %dot_general3A_24 = tpu.matmul %max3A_19, %get3A_22, %dot_general3A_23 {dimension_numbers = #tpu.dot_dimension_numbers<[1], [0], [0], [1], [0, 0, 1, 1], [], []>, transpose_lhs_hint = false} : vector<2048x128xf32>, vector<128x128xf32>, vector<2048x128xf32> -> vector<2048x128xf32>
    %get3A_25 = arith.constant 0 : index
    %get3A_26 = arith.constant 0 : index
    %get3A_27 = vector.load %arg7[%get3A_25, %get3A_26] : memref<1x128xf32, #tpu.memory_space<vmem>>, vector<1x128xf32>
    %add3A_28 = vector.broadcast %get3A_27 : vector<1x128xf32> to vector<2048x128xf32>
    %add3A_29 = arith.addf %dot_general3A_24, %add3A_28 : vector<2048x128xf32>
    %max3A_30 = arith.constant 0.000000e+00 : f32
    %max3A_31 = vector.broadcast %max3A_30 : f32 to vector<2048x128xf32>
    %max3A_32 = arith.maximumf %add3A_29, %max3A_31 : vector<2048x128xf32>
    %get3A_33 = arith.constant 0 : index
    %get3A_34 = arith.constant 0 : index
    %get3A_35 = vector.load %arg8[%get3A_33, %get3A_34] : memref<128x128xf32, #tpu.memory_space<vmem>>, vector<128x128xf32>
    %dot_general3A_36 = arith.constant dense<0.000000e+00> : vector<2048x128xf32>
    %dot_general3A_37 = tpu.matmul %max3A_32, %get3A_35, %dot_general3A_36 {dimension_numbers = #tpu.dot_dimension_numbers<[1], [0], [0], [1], [0, 0, 1, 1], [], []>, transpose_lhs_hint = false} : vector<2048x128xf32>, vector<128x128xf32>, vector<2048x128xf32> -> vector<2048x128xf32>
    %get3A_38 = arith.constant 0 : index
    %get3A_39 = arith.constant 0 : index
    %get3A_40 = vector.load %arg9[%get3A_38, %get3A_39] : memref<1x128xf32, #tpu.memory_space<vmem>>, vector<1x128xf32>
    %add3A_41 = vector.broadcast %get3A_40 : vector<1x128xf32> to vector<2048x128xf32>
    %add3A_42 = arith.addf %dot_general3A_37, %add3A_41 : vector<2048x128xf32>
    %mul3A = arith.constant 0.176776692 : f32
    %mul3A_43 = vector.broadcast %mul3A : f32 to vector<2048x128xf32>
    %mul3A_44 = arith.mulf %add3A_42, %mul3A_43 : vector<2048x128xf32>
    %slice3A = vector.extract_strided_slice %mul3A_44 {offsets = [0, 0], sizes = [2048, 4], strides = [1, 1]} : vector<2048x128xf32> to vector<2048x4xf32>
    %exp3A = math.exp %slice3A : vector<2048x4xf32>
    %get3A_45 = arith.constant 0 : index
    %get3A_46 = arith.constant 0 : index
    %get3A_47 = vector.load %arg10[%get3A_45, %get3A_46] : memref<16x128xf32, #tpu.memory_space<vmem>>, vector<16x128xf32>
    %dot_general3A_48 = arith.constant dense<0.000000e+00> : vector<2048x128xf32>
    %dot_general3A_49 = tpu.matmul %get3A_1, %get3A_47, %dot_general3A_48 {dimension_numbers = #tpu.dot_dimension_numbers<[1], [0], [0], [1], [0, 0, 1, 1], [], []>, transpose_lhs_hint = false} : vector<2048x16xf32>, vector<16x128xf32>, vector<2048x128xf32> -> vector<2048x128xf32>
    %get3A_50 = arith.constant 0 : index
    %get3A_51 = arith.constant 0 : index
    %get3A_52 = vector.load %arg11[%get3A_50, %get3A_51] : memref<1x128xf32, #tpu.memory_space<vmem>>, vector<1x128xf32>
    %add3A_53 = vector.broadcast %get3A_52 : vector<1x128xf32> to vector<2048x128xf32>
    %add3A_54 = arith.addf %dot_general3A_49, %add3A_53 : vector<2048x128xf32>
    %mul3A_55 = arith.constant 5.000000e-01 : f32
    %mul3A_56 = vector.broadcast %mul3A_55 : f32 to vector<2048x128xf32>
    %mul3A_57 = arith.mulf %add3A_54, %mul3A_56 : vector<2048x128xf32>
    %mul3A_58 = arith.constant 0.707106769 : f32
    %mul3A_59 = vector.broadcast %mul3A_58 : f32 to vector<2048x128xf32>
    %mul3A_60 = arith.mulf %add3A_54, %mul3A_59 : vector<2048x128xf32>
    %erf3A = math.erf %mul3A_60 : vector<2048x128xf32>
    %add3A_61 = arith.constant 1.000000e+00 : f32
    %add3A_62 = vector.broadcast %add3A_61 : f32 to vector<2048x128xf32>
    %add3A_63 = arith.addf %add3A_62, %erf3A : vector<2048x128xf32>
    %mul3A_64 = arith.mulf %mul3A_57, %add3A_63 : vector<2048x128xf32>
    %get3A_65 = arith.constant 0 : index
    %get3A_66 = arith.constant 0 : index
    %get3A_67 = vector.load %arg12[%get3A_65, %get3A_66] : memref<4x128xf32, #tpu.memory_space<vmem>>, vector<4x128xf32>
    %dot_general3A_68 = arith.constant dense<0.000000e+00> : vector<2048x128xf32>
    %dot_general3A_69 = tpu.matmul %exp3A, %get3A_67, %dot_general3A_68 {dimension_numbers = #tpu.dot_dimension_numbers<[1], [0], [0], [1], [0, 0, 1, 1], [], []>, transpose_lhs_hint = false} : vector<2048x4xf32>, vector<4x128xf32>, vector<2048x128xf32> -> vector<2048x128xf32>
    %swap3A = arith.constant 0 : index
    %swap3A_70 = arith.constant 0 : index
    %swap3A_71 = vector.load %arg13[%swap3A, %swap3A_70] : memref<2048x128xf32, #tpu.memory_space<vmem>>, vector<2048x128xf32>
    tpu.vector_store %arg13[%swap3A, %swap3A_70], %dot_general3A_69 {strides = array<i32>} : memref<2048x128xf32, #tpu.memory_space<vmem>>, vector<2048x128xf32>,
    %mul3A_72 = arith.mulf %mul3A_64, %dot_general3A_69 : vector<2048x128xf32>
    %swap3A_73 = arith.constant 0 : index
    %swap3A_74 = arith.constant 0 : index
    %swap3A_75 = vector.load %arg14[%swap3A_73, %swap3A_74] : memref<2048x128xf32, #tpu.memory_space<vmem>>, vector<2048x128xf32>
    tpu.vector_store %arg14[%swap3A_73, %swap3A_74], %mul3A_72 {strides = array<i32>} : memref<2048x128xf32, #tpu.memory_space<vmem>>, vector<2048x128xf32>,
    return
  }
  func.func @transform_0(%arg0: i32) -> (i32, i32) {
    %c0_i32 = arith.constant 0 : i32
    %c0_i32_0 = arith.constant 0 : i32
    return %arg0, %c0_i32 : i32, i32
  }
  func.func @transform_1(%arg0: i32) -> (i32, i32) {
    %c0_i32 = arith.constant 0 : i32
    %c0_i32_0 = arith.constant 0 : i32
    return %arg0, %c0_i32 : i32, i32
  }
  func.func @transform_2(%arg0: i32) -> (i32, i32) {
    %c0_i32 = arith.constant 0 : i32
    %c0_i32_0 = arith.constant 0 : i32
    return %arg0, %c0_i32 : i32, i32
  }
  func.func @transform_3(%arg0: i32) -> (i32, i32) {
    %c0_i32 = arith.constant 0 : i32
    %c0_i32_0 = arith.constant 0 : i32
    %c0_i32_1 = arith.constant 0 : i32
    return %c0_i32, %c0_i32_0 : i32, i32
  }
  func.func @transform_4(%arg0: i32) -> (i32, i32) {
    %c0_i32 = arith.constant 0 : i32
    %c0_i32_0 = arith.constant 0 : i32
    %c0_i32_1 = arith.constant 0 : i32
    return %c0_i32, %c0_i32_0 : i32, i32
  }
  func.func @transform_5(%arg0: i32) -> (i32, i32) {
    %c0_i32 = arith.constant 0 : i32
    %c0_i32_0 = arith.constant 0 : i32
    %c0_i32_1 = arith.constant 0 : i32
    return %c0_i32, %c0_i32_0 : i32, i32
  }
  func.func @transform_6(%arg0: i32) -> (i32, i32) {
    %c0_i32 = arith.constant 0 : i32
    %c0_i32_0 = arith.constant 0 : i32
    %c0_i32_1 = arith.constant 0 : i32
    return %c0_i32, %c0_i32_0 : i32, i32
  }
  func.func @transform_7(%arg0: i32) -> (i32, i32) {
    %c0_i32 = arith.constant 0 : i32
    %c0_i32_0 = arith.constant 0 : i32
    %c0_i32_1 = arith.constant 0 : i32
    return %c0_i32, %c0_i32_0 : i32, i32
  }
  func.func @transform_8(%arg0: i32) -> (i32, i32) {
    %c0_i32 = arith.constant 0 : i32
    %c0_i32_0 = arith.constant 0 : i32
    %c0_i32_1 = arith.constant 0 : i32
    return %c0_i32, %c0_i32_0 : i32, i32
  }
  func.func @transform_9(%arg0: i32) -> (i32, i32) {
    %c0_i32 = arith.constant 0 : i32
    %c0_i32_0 = arith.constant 0 : i32
    %c0_i32_1 = arith.constant 0 : i32
    return %c0_i32, %c0_i32_0 : i32, i32
  }
  func.func @transform_10(%arg0: i32) -> (i32, i32) {
    %c0_i32 = arith.constant 0 : i32
    %c0_i32_0 = arith.constant 0 : i32
    %c0_i32_1 = arith.constant 0 : i32
    return %c0_i32, %c0_i32_0 : i32, i32
  }
  func.func @transform_11(%arg0: i32) -> (i32, i32) {
    %c0_i32 = arith.constant 0 : i32
    %c0_i32_0 = arith.constant 0 : i32
    %c0_i32_1 = arith.constant 0 : i32
    return %c0_i32, %c0_i32_0 : i32, i32
  }
  func.func @transform_12(%arg0: i32) -> (i32, i32) {
    %c0_i32 = arith.constant 0 : i32
    %c0_i32_0 = arith.constant 0 : i32
    return %arg0, %c0_i32 : i32, i32
  }
  func.func @transform_13(%arg0: i32) -> (i32, i32) {
    %c0_i32 = arith.constant 0 : i32
    %c0_i32_0 = arith.constant 0 : i32
    return %arg0, %c0_i32 : i32, i32
  }
}

module attributes {stable_mosaic.version = 14 : i64} {
  func.func @_out_body(%arg0: i32, %arg1: memref<1x1000x128xf32, #tpu.memory_space<vmem>>, %arg2: memref<1x1000x128xf32, #tpu.memory_space<vmem>>, %arg3: memref<1x1000x128xf32, #tpu.memory_space<vmem>>, %arg4: memref<1x1000x128xf32, #tpu.memory_space<vmem>>, %arg5: memref<1000x128xf32, #tpu.memory_space<vmem>>, %arg6: memref<128x128xf32, #tpu.memory_space<vmem>>, %arg7: memref<128x128xf32, #tpu.memory_space<vmem>>, %arg8: memref<1x128xf32, #tpu.memory_space<vmem>>, %arg9: memref<1000x128xf32, #tpu.memory_space<vmem>>) attributes {dimension_semantics = [#tpu.dimension_semantics<parallel>], iteration_bounds = array<i64: 10>, scalar_prefetch = 0 : i64, scratch_operands = 0 : i64, tpu.core_type = #tpu.core_type<tc>, window_params = [{transform_indices = @transform_0, window_bounds = array<i64: 1, 1000, 128>}, {transform_indices = @transform_1, window_bounds = array<i64: 1, 1000, 128>}, {transform_indices = @transform_2, window_bounds = array<i64: 1, 1000, 128>}, {transform_indices = @transform_3, window_bounds = array<i64: 1, 1000, 128>}, {transform_indices = @transform_4, window_bounds = array<i64: 1000, 128>}, {pipeline_mode = #tpu.pipeline_mode<synchronous>, transform_indices = @transform_5, window_bounds = array<i64: 128, 128>}, {pipeline_mode = #tpu.pipeline_mode<synchronous>, transform_indices = @transform_6, window_bounds = array<i64: 128, 128>}, {pipeline_mode = #tpu.pipeline_mode<synchronous>, transform_indices = @transform_7, window_bounds = array<i64: 1, 128>}, {transform_indices = @transform_8, window_bounds = array<i64: 1000, 128>}]} {
    %get3A = arith.constant 0 : index
    %get3A_0 = arith.constant 0 : index
    %get3A_1 = arith.constant 0 : index
    %get3A_2 = vector.load %arg1[%get3A, %get3A_0, %get3A_1] : memref<1x1000x128xf32, #tpu.memory_space<vmem>>, vector<1x1000x128xf32>
    %get3A_3 = vector.shape_cast %get3A_2 : vector<1x1000x128xf32> to vector<1000x128xf32>
    %get3A_4 = arith.constant 0 : index
    %get3A_5 = arith.constant 0 : index
    %get3A_6 = arith.constant 0 : index
    %get3A_7 = vector.load %arg2[%get3A_4, %get3A_5, %get3A_6] : memref<1x1000x128xf32, #tpu.memory_space<vmem>>, vector<1x1000x128xf32>
    %get3A_8 = vector.shape_cast %get3A_7 : vector<1x1000x128xf32> to vector<1000x128xf32>
    %add3A = arith.addf %get3A_3, %get3A_8 : vector<1000x128xf32>
    %get3A_9 = arith.constant 0 : index
    %get3A_10 = arith.constant 0 : index
    %get3A_11 = arith.constant 0 : index
    %get3A_12 = vector.load %arg3[%get3A_9, %get3A_10, %get3A_11] : memref<1x1000x128xf32, #tpu.memory_space<vmem>>, vector<1x1000x128xf32>
    %get3A_13 = vector.shape_cast %get3A_12 : vector<1x1000x128xf32> to vector<1000x128xf32>
    %get3A_14 = arith.constant 0 : index
    %get3A_15 = arith.constant 0 : index
    %get3A_16 = arith.constant 0 : index
    %get3A_17 = vector.load %arg4[%get3A_14, %get3A_15, %get3A_16] : memref<1x1000x128xf32, #tpu.memory_space<vmem>>, vector<1x1000x128xf32>
    %get3A_18 = vector.shape_cast %get3A_17 : vector<1x1000x128xf32> to vector<1000x128xf32>
    %add3A_19 = arith.addf %get3A_13, %get3A_18 : vector<1000x128xf32>
    %add3A_20 = arith.constant 1.000000e-16 : f32
    %add3A_21 = vector.broadcast %add3A_20 : f32 to vector<1000x128xf32>
    %add3A_22 = arith.addf %add3A_19, %add3A_21 : vector<1000x128xf32>
    %div3A = arith.divf %add3A, %add3A_22 : vector<1000x128xf32>
    %get3A_23 = arith.constant 0 : index
    %get3A_24 = arith.constant 0 : index
    %get3A_25 = vector.load %arg7[%get3A_23, %get3A_24] : memref<128x128xf32, #tpu.memory_space<vmem>>, vector<128x128xf32>
    %dot_general3A = arith.constant dense<0.000000e+00> : vector<1000x128xf32>
    %dot_general3A_26 = tpu.matmul %div3A, %get3A_25, %dot_general3A {dimension_numbers = #tpu.dot_dimension_numbers<[1], [0], [0], [1], [0, 0, 1, 1], [], []>, transpose_lhs_hint = false} : vector<1000x128xf32>, vector<128x128xf32>, vector<1000x128xf32> -> vector<1000x128xf32>
    %get3A_27 = arith.constant 0 : index
    %get3A_28 = arith.constant 0 : index
    %get3A_29 = vector.load %arg8[%get3A_27, %get3A_28] : memref<1x128xf32, #tpu.memory_space<vmem>>, vector<1x128xf32>
    %add3A_30 = vector.broadcast %get3A_29 : vector<1x128xf32> to vector<1000x128xf32>
    %add3A_31 = arith.addf %dot_general3A_26, %add3A_30 : vector<1000x128xf32>
    %logistic3A = arith.negf %add3A_31 : vector<1000x128xf32>
    %logistic3A_32 = math.exp %logistic3A : vector<1000x128xf32>
    %logistic3A_33 = arith.constant 1.000000e+00 : f32
    %logistic3A_34 = vector.broadcast %logistic3A_33 : f32 to vector<1000x128xf32>
    %logistic3A_35 = arith.addf %logistic3A_34, %logistic3A_32 : vector<1000x128xf32>
    %logistic3A_36 = arith.divf %logistic3A_34, %logistic3A_35 : vector<1000x128xf32>
    %get3A_37 = arith.constant 0 : index
    %get3A_38 = arith.constant 0 : index
    %get3A_39 = vector.load %arg5[%get3A_37, %get3A_38] : memref<1000x128xf32, #tpu.memory_space<vmem>>, vector<1000x128xf32>
    %get3A_40 = arith.constant 0 : index
    %get3A_41 = arith.constant 0 : index
    %get3A_42 = vector.load %arg6[%get3A_40, %get3A_41] : memref<128x128xf32, #tpu.memory_space<vmem>>, vector<128x128xf32>
    %dot_general3A_43 = arith.constant dense<0.000000e+00> : vector<1000x128xf32>
    %dot_general3A_44 = tpu.matmul %div3A, %get3A_42, %dot_general3A_43 {dimension_numbers = #tpu.dot_dimension_numbers<[1], [0], [0], [1], [0, 0, 1, 1], [], []>, transpose_lhs_hint = false} : vector<1000x128xf32>, vector<128x128xf32>, vector<1000x128xf32> -> vector<1000x128xf32>
    %mul3A = arith.mulf %dot_general3A_44, %logistic3A_36 : vector<1000x128xf32>
    %add3A_45 = arith.addf %get3A_39, %mul3A : vector<1000x128xf32>
    %swap3A = arith.constant 0 : index
    %swap3A_46 = arith.constant 0 : index
    %swap3A_47 = vector.load %arg9[%swap3A, %swap3A_46] : memref<1000x128xf32, #tpu.memory_space<vmem>>, vector<1000x128xf32>
    tpu.vector_store %arg9[%swap3A, %swap3A_46], %add3A_45 {strides = array<i32>} : memref<1000x128xf32, #tpu.memory_space<vmem>>, vector<1000x128xf32>,
    return
  }
  func.func @transform_0(%arg0: i32) -> (i32, i32, i32) {
    %c0_i32 = arith.constant 0 : i32
    %c0_i32_0 = arith.constant 0 : i32
    %c0_i32_1 = arith.constant 0 : i32
    return %c0_i32, %arg0, %c0_i32_0 : i32, i32, i32
  }
  func.func @transform_1(%arg0: i32) -> (i32, i32, i32) {
    %c1_i32 = arith.constant 1 : i32
    %c0_i32 = arith.constant 0 : i32
    %c0_i32_0 = arith.constant 0 : i32
    return %c1_i32, %arg0, %c0_i32 : i32, i32, i32
  }
  func.func @transform_2(%arg0: i32) -> (i32, i32, i32) {
    %c0_i32 = arith.constant 0 : i32
    %c0_i32_0 = arith.constant 0 : i32
    %c0_i32_1 = arith.constant 0 : i32
    return %c0_i32, %arg0, %c0_i32_0 : i32, i32, i32
  }
  func.func @transform_3(%arg0: i32) -> (i32, i32, i32) {
    %c1_i32 = arith.constant 1 : i32
    %c0_i32 = arith.constant 0 : i32
    %c0_i32_0 = arith.constant 0 : i32
    return %c1_i32, %arg0, %c0_i32 : i32, i32, i32
  }
  func.func @transform_4(%arg0: i32) -> (i32, i32) {
    %c0_i32 = arith.constant 0 : i32
    %c0_i32_0 = arith.constant 0 : i32
    return %arg0, %c0_i32 : i32, i32
  }
  func.func @transform_5(%arg0: i32) -> (i32, i32) {
    %c0_i32 = arith.constant 0 : i32
    %c0_i32_0 = arith.constant 0 : i32
    %c0_i32_1 = arith.constant 0 : i32
    return %c0_i32, %c0_i32_0 : i32, i32
  }
  func.func @transform_6(%arg0: i32) -> (i32, i32) {
    %c0_i32 = arith.constant 0 : i32
    %c0_i32_0 = arith.constant 0 : i32
    %c0_i32_1 = arith.constant 0 : i32
    return %c0_i32, %c0_i32_0 : i32, i32
  }
  func.func @transform_7(%arg0: i32) -> (i32, i32) {
    %c0_i32 = arith.constant 0 : i32
    %c0_i32_0 = arith.constant 0 : i32
    %c0_i32_1 = arith.constant 0 : i32
    return %c0_i32, %c0_i32_0 : i32, i32
  }
  func.func @transform_8(%arg0: i32) -> (i32, i32) {
    %c0_i32 = arith.constant 0 : i32
    %c0_i32_0 = arith.constant 0 : i32
    return %arg0, %c0_i32 : i32, i32
  }
}

</mosaic_0001>

<sc_bundles>
// kernel: kernel.11.cloned.1.call-start
scs
__scs_entry_jumppad:
0x0: {  	(pc) =	sbr.rel $0x88, $3  }
0x1: {  	(tag) =	ssettag $0x0;
	lr =	simm.s32 $0x1  }
0x2: {  	[smem:$0x3F93] =	sst lr;
	_ =	strace $0xD0000000  }
0x3: {  	_ = 	snop  }
0x4: {  	_ = 	snop  }
0x5: {  	_ = 	snop  }
0x6: {  	_ = 	snop  }
0x7: {  	_ = 	snop  }
__scs_overlays_trampoline_lowered:
0x8: {  	[smem:$0x3FA2] =	sst s0  }
0x9: {  	[smem:$0x3FA3] =	sst s1  }
0xa: {  	[smem:$0x3FA4] =	sst s2  }
0xb: {  	[smem:$0x3FA5] =	sst s3  }
0xc: {  	[smem:$0x3FA6] =	sst s4  }
0xd: {  	[smem:$0x3FA7] =	sst s5  }
0xe: {  	[smem:$0x3FA8] =	sst s6  }
0xf: {  	[smem:$0x3FA9] =	sst s7  }
0x10: {  	[smem:$0x3FAA] =	sst s8  }
0x11: {  	[smem:$0x3FAB] =	sst s9;
	s0 =	simm.s32 @!p0 $0x0  }
0x12: {  	s1 =	sld [smem:$0x3F91];
	s0 =	simm.s32 @p0 $0x1  }
0x13: {  	[smem:$0x3FAC] =	sst s0;
	s0 =	simm.s32 @!p1 $0x0  }
0x14: {  	s2 =	sld [smem:$0x3F90];
	s0 =	simm.s32 @p1 $0x1  }
0x15: {  	[smem:$0x3FAD] =	sst s0;
	s0 =	simm.s32 @!p2 $0x0  }
0x16: {  	s3 =	sld [smem:$0x3FDB];
	s0 =	simm.s32 @p2 $0x1  }
0x17: {  	s4 =	simm.s32 $0x1BF5;
	[smem:$0x3FAF] =	sst s0  }
0x18: {  	s0 =	sld [smem:$0x3F92];
	_ =	swait.ge [sflag:s4], $0x0  }
0x19: {  	s7 =	sld [smem:$0x3F93]  }
0x1a: {  	s8 =	sadd.s32 $0xFFFFE003, lr  }
0x1b: {  	s9 =	sadd.s32 $0xFFFFFEF7, lr;
	s5 =	simm.s32 $0xFFFFFFFF;
	p2 =	slt.u32 s8, $0xFFFFF086  }
0x1c: {  	p1 =	slt.u32 s9, $0xF7A;
	s5 =	simm.s32 @!p2 $0x0  }
0x1d: {  	s5 =	simm.s32 @p1 $0x1;
	p0 =	seq.s32 s7, s2  }
0x1e: {  	s7 =	smul.u32 @!p0 $0xF7A, s2;
	p2 =	seq.s32 @!p0 s5, $0x0  }
0x1f: {  	s9 =	smul.u32 $0xF7A, s1;
	s8 =	simm.s32 @!p0 $0x1BF5;
	p2 =	por !p2, p0  }
0x20: {  	[sflag:s8] =	ssyncset.s32 @!p0 $0xFFFFF086;
	s6 =	sadd.s32 @!p0 s3, s7;
	s7 =	simm.s32 @!p0 $0x108  }
0x21: {  	s3 =	sadd.s32 s3, s9;
	s6 =	sadd.s32 @!p0 $0x88, s6;
	s7 =	simm.s32 @p2 $0x1082  }
0x22: {  	[simem:s7], [sflag:s8] =	dma.local @!p0 [hbm:s6], $0xF7A  }
0x23: {  	s9 =	sor.u32 $0xD0000000, s2;
	s6 =	simm.s32 $0x108;
	_ =	swait.ge @!p0 [sflag:s8], $0x0  }
0x24: {  	s3 =	sadd.s32 $0x88, s3;
	s6 =	simm.s32 @!p1 $0x1082;
	[sflag:s4] =	ssyncset.s32 $0xFFFFF086  }
0x25: {  	[simem:s6], [sflag:s4] =	dma.local [hbm:s3], $0xF7A  }
0x26: {  	[smem:$0x3F93] =	sst s1;
	(tag) =	ssettag s2;
	_ =	strace s9  }
0x27: {  	s1 =	sld [smem:$0x3FA3]  }
0x28: {  	s2 =	sld [smem:$0x3FA4]  }
0x29: {  	s4 =	sld [smem:$0x3FA6]  }
0x2a: {  	p0 =	seq.s32 s5, $0x0;
	s5 =	sld [smem:$0x3FA7]  }
0x2b: {  	s6 =	sld [smem:$0x3FA8]  }
0x2c: {  	s7 =	sld [smem:$0x3FA9]  }
0x2d: {  	s3 =	simm.s32 $0x108;
	s8 =	sld [smem:$0x3FAA]  }
0x2e: {  	s3 =	simm.s32 @!p0 $0x1082;
	s9 =	sld [smem:$0x3FAB]  }
0x2f: {  	lr =	sadd.s32 s0, s3;
	s0 =	sld [smem:$0x3FA2]  }
0x30: {  	s3 =	sld [smem:$0x3FA5]  }
0x31: {  	[smem:$0x3FAE] =	sst s10  }
0x32: {  	s10 =	sld [smem:$0x3FAC];
	_ =	sdelay $0x3  }
0x33: {  	p0 =	seq.s32 s10, $0x1;
	s10 =	sld [smem:$0x3FAE];
	_ =	sdelay $0x3  }
0x34: {  	[smem:$0x3FAE] =	sst s10  }
0x35: {  	s10 =	sld [smem:$0x3FAD];
	_ =	sdelay $0x3  }
0x36: {  	p1 =	seq.s32 s10, $0x1;
	s10 =	sld [smem:$0x3FAE];
	_ =	sdelay $0x3  }
0x37: {  	[smem:$0x3FAE] =	sst s10  }
0x38: {  	s10 =	sld [smem:$0x3FAF]  }
0x39: {  	_ = 	snop;
	(pc) =	sbr.ind lr, $3  }
0x3a: {  	_ = 	snop  }
0x3b: {  	_ = 	snop  }
0x3c: {  	p2 =	seq.s32 s10, $0x1;
	s10 =	sld [smem:$0x3FAE]  }
0x3d: {  	_ =	shalt  }
0x3e: {  	_ =	shalt  }
0x3f: {  	_ =	shalt  }
0x40: {  	_ =	shalt  }
0x41: {  	_ =	shalt  }
0x42: {  	_ =	shalt  }
0x43: {  	_ =	shalt  }
0x44: {  	_ =	shalt  }
0x45: {  	_ =	shalt  }
0x46: {  	_ =	shalt  }
0x47: {  	_ =	shalt  }
0x48: {  	_ =	shalt  }
0x49: {  	_ =	shalt  }
0x4a: {  	_ =	shalt  }
0x4b: {  	_ =	shalt  }
0x4c: {  	_ =	shalt  }
0x4d: {  	_ =	shalt  }
0x4e: {  	_ =	shalt  }
0x4f: {  	_ =	shalt  }
0x50: {  	_ =	shalt  }
0x51: {  	_ =	shalt  }
0x52: {  	_ =	shalt  }
0x53: {  	_ =	shalt  }
0x54: {  	_ =	shalt  }
0x55: {  	_ =	shalt  }
0x56: {  	_ =	shalt  }
0x57: {  	_ =	shalt  }
0x58: {  	_ =	shalt  }
0x59: {  	_ =	shalt  }
0x5a: {  	_ =	shalt  }
0x5b: {  	_ =	shalt  }
0x5c: {  	_ =	shalt  }
0x5d: {  	_ =	shalt  }
0x5e: {  	_ =	shalt  }
0x5f: {  	_ =	shalt  }
0x60: {  	_ =	shalt  }
0x61: {  	_ =	shalt  }
0x62: {  	_ =	shalt  }
0x63: {  	_ =	shalt  }
0x64: {  	_ =	shalt  }
0x65: {  	_ =	shalt  }
0x66: {  	_ =	shalt  }
0x67: {  	_ =	shalt  }
0x68: {  	_ =	shalt  }
0x69: {  	_ =	shalt  }
0x6a: {  	_ =	shalt  }
0x6b: {  	_ =	shalt  }
0x6c: {  	_ =	shalt  }
0x6d: {  	_ =	shalt  }
0x6e: {  	_ =	shalt  }
0x6f: {  	_ =	shalt  }
0x70: {  	_ =	shalt  }
0x71: {  	_ =	shalt  }
0x72: {  	_ =	shalt  }
0x73: {  	_ =	shalt  }
0x74: {  	_ =	shalt  }
0x75: {  	_ =	shalt  }
0x76: {  	_ =	shalt  }
0x77: {  	_ =	shalt  }
0x78: {  	_ =	shalt  }
0x79: {  	_ =	shalt  }
0x7a: {  	_ =	shalt  }
0x7b: {  	_ =	shalt  }
0x7c: {  	_ =	shalt  }
0x7d: {  	_ =	shalt  }
0x7e: {  	_ =	shalt  }
0x7f: {  	_ =	shalt  }
0x80: {  	_ =	shalt  }
0x81: {  	_ =	shalt  }
0x82: {  	_ =	shalt  }
0x83: {  	_ =	shalt  }
0x84: {  	_ =	shalt  }
0x85: {  	_ =	shalt  }
0x86: {  	_ =	shalt  }
0x87: {  	_ =	shalt  }
.Lfunc_end0:
.L_simem_size_0:
called_computation.1_lowered:
.L_overlay_start_0:
0x88: {  	s2 =	sld [smem:$0x3FD9]  }
0x89: {  	s3 =	sld [smem:$0x3FFE];
	_ =	sdelay $0x1  }
0x8a: {  	s1 =	srdreg.scid  }
0x8b: {  	s0 =	sand.u32 $0x1, s1  }
0x8c: {  	s17 =	sshll.u32 s0, $0xA;
	s2 =	sadd.s32 s3, s2  }
0x8d: {  	s2 =	sadd.s32 s2, s17  }
0x8e: {  	[smem:$0x3FBA] =	sst s2  }
0x8f: {  	_ = 	snop  }
0x90: {  	s18 =	sld [smem:$0x3FD0];
	(tm) =	ssettm $0x1  }
0x91: {  	s19 =	sld [smem:$0x3FFB];
	_ =	sdelay $0x3  }
0x92: {  	_ =	strace s19  }
0x93: {  	s2 =	sld [smem:$0x3FFC];
	_ =	sdelay $0x3  }
0x94: {  	_ =	strace s2  }
0x95: {  	s2 =	sld [smem:$0x3FFD];
	_ =	sdelay $0x3  }
0x96: {  	_ =	strace s2  }
0x97: {  	_ =	strace $0x8FFFFFFF  }
0x98: {  	s20 =	sld [smem:$0x3FDB];
	_ =	sdelay $0x1  }
0x99: {  	s4 =	simm.s32 $_scs_section_size  }
0x9a: {  	s5 =	simm.s32 $_size__tile_overlayer_lowered;
	s6 =	simm.s32 $_tile_overlayer_lowered  }
0x9b: {  	s7 =	simm.s32 $0x1BFF;
	s21 =	sshll.u32 s6, $0x1;
	s4 =	sadd.s32 s4, s20  }
0x9c: {  	s22 =	simm.s32 $0x0;
	s5 =	sshll.u32 s5, $0x1;
	s6 =	sadd.s32 s21, s4  }
0x9d: {  	[timem:s22], [sflag:s7] =	dma.local [hbm:s6], s5  }
0x9e: {  	_ =	swait.ge [sflag:s7], s5  }
0x9f: {  	s5 =	ssub.s32 $0x0, s5;
	[sflag:s7] =	ssyncset.done $0x0  }
0xa0: {  	[sflag:s7] =	ssyncadd.s32 s5;
	_ =	sdelay $0x1  }
0xa1: {  	s23 =	simm.s32 $0x1B8B  }
0xa2: {  	_ =	swait.ge [sflag:s23], $0x1  }
0xa3: {  	[sflag:s23] =	ssyncset.done $0x0  }
0xa4: {  	[sflag:s23] =	ssyncadd.s32 $0xFFFFFFFF  }
0xa5: {  	s5 =	sld [smem:$0x0]  }
0xa6: {  	s6 =	sand.u32 $0xFFFFFFFE, s1  }
0xa7: {  	p0 =	sne.s32 s1, s6  }
0xa8: {  	s6 =	sshll.u32 @p0 s6, $0xE  }
0xa9: {  	s6 =	sadd.s32 @p0 $0x11B8D, s6;
	s7 =	sshll.u32 @p0 s5, $0x11  }
0xaa: {  	s6 =	sor.u32 @p0 s7, s6  }
0xab: {  	[sflag:s6] =	ssyncadd.remote.s32 @p0 $0x1;
	_ =	sdelay $0x1  }
0xac: {  	s6 =	simm.s32 @p0 $0x1B8D  }
0xad: {  	_ =	swait.eq @p0 [sflag:s6], $0x1  }
0xae: {  	[sflag:s6] =	ssyncadd.s32 @p0 $0xFFFFFFFF  }
0xaf: {  	s7 =	sshll.u32 @!p0 s1, $0xE  }
0xb0: {  	s7 =	sor.u32 @!p0 $0x4000, s7;
	s6 =	simm.s32 @!p0 $0x1B8D  }
0xb1: {  	s5 =	sshll.u32 @!p0 s5, $0x11;
	s7 =	sadd.s32 @!p0 $0x11B8D, s7;
	_ =	swait.eq @!p0 [sflag:s6], $0x1  }
0xb2: {  	s5 =	sor.u32 @!p0 s5, s7;
	[sflag:s6] =	ssyncadd.s32 @!p0 $0xFFFFFFFF  }
0xb3: {  	s25 =	simm.s32 $0x1B8E;
	s24 =	sld [smem:$0x3FFE];
	[sflag:s5] =	ssyncadd.remote.s32 @!p0 $0x1  }
0xb4: {  	s26 =	simm.s32 $execute0_lowered;
	[smem:$0x3FD2] =	sst s25  }
0xb5: {  	s6 =	sshll.u32 s26, $0x1;
	_ =	strace $0x8000004C;
	[dreg:$0x1] =	wrdreg $0xFFFFFFFF  }
0xb6: {  	s28 =	simm.s32 $_size_execute0_lowered;
	s4 =	sadd.s32 s4, s6;
	[dreg:$0x0] =	wrdreg $0x0  }
0xb7: {  	s6 =	sshll.u32 s28, $0x1;
	[dreg:$0x2] =	wrdreg s4  }
0xb8: {  	[dreg:$0x3] =	wrdreg s6  }
0xb9: {  	[dreg:$0x4] =	wrdreg $0xC0  }
0xba: {  	_ =	task [dreg:s22], $0x5FFFF  }
0xbb: {  	[dreg:$0x1] =	wrdreg $0xFFFFFFFF  }
0xbc: {  	[dreg:$0x0] =	wrdreg $0x60  }
0xbd: {  	[dreg:$0x2] =	wrdreg s24  }
0xbe: {  	[dreg:$0x3] =	wrdreg s18  }
0xbf: {  	[dreg:$0x4] =	wrdreg $0xA8000  }
0xc0: {  	[dreg:$0x5] =	wrdreg $0x9  }
0xc1: {  	_ =	task.clear_ibuf [dreg:s22], $0x6FFFF;
	_ =	strace $0x9000004C  }
0xc2: {  	s29 =	simm.s32 $0x9;
	_ =	strace $0x8000004E  }
0xc3: {  	_ =	swait.ge [sflag:s29], $0x1  }
0xc4: {  	[sflag:s29] =	ssyncadd.s32 $0xFFFFFFFF  }
0xc5: {  	_ =	strace $0x9000004E  }
0xc6: {  	_ =	sfence  }
0xc7: {  	s30 =	sld [smem:$0x0];
	_ =	sdelay $0x2  }
0xc8: {  	s31 =	sshll.u32 s1, $0xD;
	s1 =	sshrl.u32 s1, $0x2  }
0xc9: {  	s4 =	sand.u32 $0x4000, s31;
	s1 =	sadd.s32 s1, s30  }
0xca: {  	s0 =	sor.u32 s4, s0;
	s1 =	sshll.u32 s1, $0x11  }
0xcb: {  	s0 =	sor.u32 s1, s0  }
0xcc: {  	s0 =	sadd.s32 $0x8F2B, s0  }
0xcd: {  	[sflag:s0] =	ssyncadd.remote.s32 $0x1  }
0xce: {  	_ =	sfence.sel $0xFFFF  }
0xcf: {  	[dreg:$0x0] =	wrdreg $0xFFFFFFFF;
	(pc) =	sbr.abs _section_cstart, $3  }
0xd0: {  	[dreg:$0x1] =	wrdreg $0xFFFFFFFF  }
0xd1: {  	_ =	task.clear_ibuf [dreg:s22], $0x2FFFF;
	_ =	strace $0x9FFFFFFF  }
0xd2: {  	(tm) =	ssettm $0x7FFFFFFF  }
0xd3: {  	_ =	shalt  }
tec
execute0_lowered:
.L_overlay_start_1:
0x0: {  	(tag) =	ssettag $0x1  }
0x1: {  	s5 =	rddreg [dreg:$0x0]  }
0x2: {  	s1 =	srdreg.scid;
	s2 =	rddreg [dreg:$0x1]  }
0x3: {  	s0 =	stileid.u32;
	s3 =	rddreg [dreg:$0x2];
	s4 =	simm.s32 $0x0  }
0x4: {  	s16 =	simm.s32 $0x6800;
	s17 =	simm.s32 $0x2;
	s9 =	smul.u32 $0x14000, s0  }
0x5: {  	s18 =	simm.s32 $0x0;
	s7 =	sand.u32 $0x1, s1;
	s11 =	smul.u32 $0x50000, s0  }
0x6: {  	s26 =	sshll.u32 s0, $0x1;
	[smem:$0x7FF] =	sst s4;
	s15 =	smul.u32 $0x280000, s0  }
0x7: {  	s12 =	sadd.s32 $0x193FC00, s5;
	s14 =	sshll.u32 s0, $0x6;
	s8 =	smul.u32 $0x140000, s7  }
0x8: {  	s1 =	sor.u32 s7, s26;
	s10 =	ssub.s32 $0x2, s7;
	s29 =	smul.u32 $0x28000, s7  }
0x9: {  	s6 =	smul.u32 $0x2800, s1;
	s1 =	rddreg [dreg:$0x3];
	_ =	strace $0x8000004D  }
0xa: {  	s28 =	sshrl.u32 s10, $0x1;
	s13 =	sshrl.u32 s11, $0x2;
	s11 =	sadd.s32 s11, s12  }
0xb: {  	s9 =	sadd.s32 s9, s8;
	s10 =	ssub.s32 s10, s28;
	s13 =	sadd.s32 s13, s3  }
0xc: {  	s8 =	sadd.s32 s8, s15;
	s31 =	sadd.s32 s29, s11;
	s15 =	simm.s32 $0x80  }
0xd: {  	s6 =	sshrl.u32 s6, $0x3;
	s9 =	sshrl.u32 s9, $0x3;
	s30 =	sshrl.u32 s8, $0x3  }
0xe: {  	s8 =	smax.u32 s10, $0x1;
	s10 =	sadd.s32 $0x800, s31;
	s11 =	sshrl.u32 s13, $0x3  }
0xf: {  	s13 =	simm.s32 $0x2800;
	s6 =	sadd.s32 s6, s5;
	s9 =	sadd.s32 s9, s5  }
0x10: {  	s5 =	sor.u32 $0x1C03, s14;
	s14 =	simm.s32 $0x1;
	s6 =	sadd.s32 $0x3C00, s6  }
0x11: {  	s7 =	sadd.s32 $0x5DC00, s9;
	s9 =	sadd.s32 s30, s12;
	s12 =	simm.s32 $0x3  }
.LBB2_1:
0x12: {  	[spmem:s11], [sflag:s5] =	dma.local [hbm:s2], $0x2800  }
0x13: {  	_ =	swait.ge [sflag:s12], $0x2800  }
0x14: {  	[sflag:s12] =	ssyncset.done $0x0  }
0x15: {  	[sflag:s12] =	ssyncadd.s32 $0xFFFFD800  }
0x16: {  	[tilespmem:s4], [sflag:$0x3] =	stream.linear.gather [hbm4b:s6+s4], $0x2800, $0x38;
	[tilespmem:$0x1E800] =	vst v63  }
0x17: {  	_ =	swait.ge [sflag:s12], $0x2800  }
0x18: {  	[sflag:s12] =	ssyncset.done $0x0  }
0x19: {  	[sflag:s12] =	ssyncadd.s32 $0xFFFFD800  }
0x1a: {  	s19 =	sadd.s32 $0x0, s9;
	[bflag:$0x0] =	sbarrier.arrive $0xFFFF  }
0x1b: {  	[tilespmem:s13], [sflag:$0x1] =	stream.linear.gather [hbm4b:s19+s4], $0x4000, $0x38;
	[tilespmem:$0x1E800] =	vst v63  }
0x1c: {  	_ =	swait.ge [sflag:s14], $0x4000  }
0x1d: {  	[sflag:s14] =	ssyncset.done $0x0  }
0x1e: {  	[sflag:s14] =	ssyncadd.s32 $0xFFFFC000  }
0x1f: {  	[spmem:s3] =	stream.indirect.scatter.add.f32 [tilespmem:s13], [sflag:$0x3], $0x80, s4, s15, $0xb8;
	[tilespmem:$0x1E800] =	vst v63  }
0x20: {  	_ =	swait.ge [sflag:s12], $0x4000  }
0x21: {  	[sflag:s12] =	ssyncset.done $0x0  }
0x22: {  	s30 =	sadd.s32 $0x0, s10;
	[sflag:s12] =	ssyncadd.s32 $0xFFFFC000  }
0x23: {  	[tilespmem:s16], [sflag:$0x2] =	stream.linear.gather [hbm4b:s30+s4], $0x4000, $0x38;
	[tilespmem:$0x1E800] =	vst v63  }
0x24: {  	_ =	swait.ge [sflag:s17], $0x4000  }
0x25: {  	[sflag:s17] =	ssyncset.done $0x0  }
0x26: {  	s31 =	simm.s32 $0x80;
	[sflag:s17] =	ssyncadd.s32 $0xFFFFC000  }
0x27: {  	[spmem:s3] =	stream.indirect.scatter.add.f32 [tilespmem:s16], [sflag:$0x3], $0x80, s31, s15, $0xb8;
	[tilespmem:$0x1E800] =	vst v63  }
0x28: {  	s20 =	simm.s32 $0x1000;
	_ =	swait.ge [sflag:s12], $0x4000  }
0x29: {  	s21 =	simm.s32 $0x2000;
	s19 =	simm.s32 $0x100;
	[sflag:s12] =	ssyncset.done $0x0  }
.LBB2_2:
0x2a: {  	s22 =	sadd.s32 s20, s9  }
0x2b: {  	[sflag:s12] =	ssyncadd.s32 $0xFFFFC000;
	s23 =	smov.u32 s21;
	s24 =	sadd.s32 $0x1000, s21  }
0x2c: {  	[tilespmem:s13], [sflag:$0x1] =	stream.linear.gather [hbm4b:s22+s4], $0x4000, $0x38;
	[tilespmem:$0x1E800] =	vst v63  }
0x2d: {  	p0 =	sne.s32 s21, $0x27000;
	_ =	swait.ge [sflag:s14], $0x4000  }
0x2e: {  	[sflag:s14] =	ssyncset.done $0x0  }
0x2f: {  	[sflag:s14] =	ssyncadd.s32 $0xFFFFC000  }
0x30: {  	[spmem:s3] =	stream.indirect.scatter.add.f32 [tilespmem:s13], [sflag:$0x3], $0x80, s19, s15, $0xb8;
	[tilespmem:$0x1E800] =	vst v63  }
0x31: {  	_ =	swait.ge [sflag:s12], $0x4000  }
0x32: {  	[sflag:s12] =	ssyncset.done $0x0  }
0x33: {  	s21 =	sadd.s32 s20, s10;
	s20 =	smov.u32 s23;
	[sflag:s12] =	ssyncadd.s32 $0xFFFFC000  }
0x34: {  	[tilespmem:s16], [sflag:$0x2] =	stream.linear.gather [hbm4b:s21+s4], $0x4000, $0x38;
	[tilespmem:$0x1E800] =	vst v63  }
0x35: {  	_ =	swait.ge [sflag:s17], $0x4000  }
.Ltmp0:
0x36: {  	[sflag:s17] =	ssyncset.done $0x0;
	(pc) =	sbr.rel @p0 .LBB2_2-.Ltmp0, $4  }
0x37: {  	s21 =	sadd.s32 $0x80, s19;
	[sflag:s17] =	ssyncadd.s32 $0xFFFFC000  }
0x38: {  	[spmem:s3] =	stream.indirect.scatter.add.f32 [tilespmem:s16], [sflag:$0x3], $0x80, s21, s15, $0xb8;
	[tilespmem:$0x1E800] =	vst v63  }
0x39: {  	_ =	swait.ge [sflag:s12], $0x4000  }
0x3a: {  	s19 =	sadd.s32 $0x100, s19;
	s21 =	smov.u32 s24;
	[sflag:s12] =	ssyncset.done $0x0  }
0x3b: {  	s21 =	sadd.s32 s20, s9;
	[sflag:s12] =	ssyncadd.s32 $0xFFFFC000  }
0x3c: {  	[tilespmem:s13], [sflag:$0x1] =	stream.linear.gather [hbm4b:s21+s4], $0x4000, $0x38;
	[tilespmem:$0x1E800] =	vst v63  }
0x3d: {  	_ =	swait.ge [sflag:s14], $0x4000  }
0x3e: {  	[sflag:s14] =	ssyncset.done $0x0  }
0x3f: {  	[sflag:s14] =	ssyncadd.s32 $0xFFFFC000  }
0x40: {  	[spmem:s3] =	stream.indirect.scatter.add.f32 [tilespmem:s13], [sflag:$0x3], $0x80, s19, s15, $0xb8;
	[tilespmem:$0x1E800] =	vst v63  }
0x41: {  	_ =	swait.ge [sflag:s12], $0x4000  }
0x42: {  	[sflag:s12] =	ssyncset.done $0x0  }
0x43: {  	s30 =	sadd.s32 s20, s10;
	[sflag:s12] =	ssyncadd.s32 $0xFFFFC000  }
0x44: {  	[tilespmem:s16], [sflag:$0x2] =	stream.linear.gather [hbm4b:s30+s4], $0x4000, $0x38;
	[tilespmem:$0x1E800] =	vst v63  }
0x45: {  	_ =	swait.ge [sflag:s17], $0x4000  }
0x46: {  	[sflag:s17] =	ssyncset.done $0x0  }
0x47: {  	s31 =	sadd.s32 $0x80, s19;
	[sflag:s17] =	ssyncadd.s32 $0xFFFFC000  }
0x48: {  	[spmem:s3] =	stream.indirect.scatter.add.f32 [tilespmem:s16], [sflag:$0x3], $0x80, s31, s15, $0xb8;
	[tilespmem:$0x1E800] =	vst v63  }
0x49: {  	_ =	swait.ge [sflag:s12], $0x4000  }
0x4a: {  	s18 =	sadd.s32 $0x1, s18;
	[sflag:s12] =	ssyncset.done $0x0  }
0x4b: {  	p0 =	sne.s32 s18, s8;
	[sflag:s12] =	ssyncadd.s32 $0xFFFFC000  }
.Ltmp1:
0x4c: {  	[bflag:$0x0] =	sbarrier.arrive $0xFFFF;
	(pc) =	sbr.rel @p0 .LBB2_1-.Ltmp1, $4  }
0x4d: {  	[hbm:s7], [sflag:s5] =	dma.local [spmem:s11], $0x2800  }
0x4e: {  	_ =	swait.ge [sflag:s12], $0x2800  }
0x4f: {  	[sflag:s12] =	ssyncset.done $0x0  }
0x50: {  	[sflag:s12] =	ssyncadd.s32 $0xFFFFD800  }
0x51: {  	_ =	sfence.sel $0x180000  }
0x52: {  	[bflag:$0x0] =	sbarrier.arrive $0xFFFF  }
0x53: {  	p0 =	sne.s32 s0, $0x0;
	_ =	strace $0x9000004D  }
0x54: {  	s0 =	sadd.s32 @!p0 $0x100000, s1;
	[bflag:$0x2] =	sbarrier.arrive $0xFFFF  }
0x55: {  	[sflag:s0] =	ssyncadd.tile.s32 @!p0 $0x1;
	_ =	shalt  }
.Lfunc_end2:
_tile_overlayer_lowered:
.L_overlay_start_2:
0x56: {  	(tag) =	ssettag $0x2  }
0x57: {  	s0 =	rddreg [dreg:$0x0];
	s2 =	stileid.u32  }
0x58: {  	s1 =	rddreg [dreg:$0x1];
	p0 =	sne.s32 s2, $0x0  }
0x59: {  	s3 =	rddreg [dreg:$0x2];
	[bflag:$0x3] =	sbarrier.arrive $0xFFFF;
	s2 =	simm.s32 @!p0 $0x1C03  }
0x5a: {  	[timem:s3], [sflag:s2] =	dma.local @!p0 [hbm:s0], s1  }
0x5b: {  	s0 =	simm.s32 @!p0 $0x3  }
0x5c: {  	_ =	swait.ge @!p0 [sflag:s0], s1  }
0x5d: {  	s1 =	ssub.s32 @!p0 $0x0, s1;
	[sflag:s0] =	ssyncset.done @!p0 $0x0  }
0x5e: {  	[sflag:s0] =	ssyncadd.s32 @!p0 s1  }
0x5f: {  	[bflag:$0x3] =	sbarrier.arrive $0xFFFF  }
0x60: {  	_ =	shalt  }

// kernel: kernel.14.cloned.1.call-start
scs
__scs_entry_jumppad:
0x0: {  	(pc) =	sbr.rel $0x88, $3  }
0x1: {  	(tag) =	ssettag $0x0;
	lr =	simm.s32 $0x1  }
0x2: {  	[smem:$0x3F93] =	sst lr;
	_ =	strace $0xD0000000  }
0x3: {  	_ = 	snop  }
0x4: {  	_ = 	snop  }
0x5: {  	_ = 	snop  }
0x6: {  	_ = 	snop  }
0x7: {  	_ = 	snop  }
__scs_overlays_trampoline_lowered:
0x8: {  	[smem:$0x3FA2] =	sst s0  }
0x9: {  	[smem:$0x3FA3] =	sst s1  }
0xa: {  	[smem:$0x3FA4] =	sst s2  }
0xb: {  	[smem:$0x3FA5] =	sst s3  }
0xc: {  	[smem:$0x3FA6] =	sst s4  }
0xd: {  	[smem:$0x3FA7] =	sst s5  }
0xe: {  	[smem:$0x3FA8] =	sst s6  }
0xf: {  	[smem:$0x3FA9] =	sst s7  }
0x10: {  	[smem:$0x3FAA] =	sst s8  }
0x11: {  	[smem:$0x3FAB] =	sst s9;
	s0 =	simm.s32 @!p0 $0x0  }
0x12: {  	s1 =	sld [smem:$0x3F91];
	s0 =	simm.s32 @p0 $0x1  }
0x13: {  	[smem:$0x3FAC] =	sst s0;
	s0 =	simm.s32 @!p1 $0x0  }
0x14: {  	s2 =	sld [smem:$0x3F90];
	s0 =	simm.s32 @p1 $0x1  }
0x15: {  	[smem:$0x3FAD] =	sst s0;
	s0 =	simm.s32 @!p2 $0x0  }
0x16: {  	s3 =	sld [smem:$0x3FDB];
	s0 =	simm.s32 @p2 $0x1  }
0x17: {  	s4 =	simm.s32 $0x1BF5;
	[smem:$0x3FAF] =	sst s0  }
0x18: {  	s0 =	sld [smem:$0x3F92];
	_ =	swait.ge [sflag:s4], $0x0  }
0x19: {  	s7 =	sld [smem:$0x3F93]  }
0x1a: {  	s8 =	sadd.s32 $0xFFFFE003, lr  }
0x1b: {  	s9 =	sadd.s32 $0xFFFFFEF7, lr;
	s5 =	simm.s32 $0xFFFFFFFF;
	p2 =	slt.u32 s8, $0xFFFFF086  }
0x1c: {  	p1 =	slt.u32 s9, $0xF7A;
	s5 =	simm.s32 @!p2 $0x0  }
0x1d: {  	s5 =	simm.s32 @p1 $0x1;
	p0 =	seq.s32 s7, s2  }
0x1e: {  	s7 =	smul.u32 @!p0 $0xF7A, s2;
	p2 =	seq.s32 @!p0 s5, $0x0  }
0x1f: {  	s9 =	smul.u32 $0xF7A, s1;
	s8 =	simm.s32 @!p0 $0x1BF5;
	p2 =	por !p2, p0  }
0x20: {  	[sflag:s8] =	ssyncset.s32 @!p0 $0xFFFFF086;
	s6 =	sadd.s32 @!p0 s3, s7;
	s7 =	simm.s32 @!p0 $0x108  }
0x21: {  	s3 =	sadd.s32 s3, s9;
	s6 =	sadd.s32 @!p0 $0x88, s6;
	s7 =	simm.s32 @p2 $0x1082  }
0x22: {  	[simem:s7], [sflag:s8] =	dma.local @!p0 [hbm:s6], $0xF7A  }
0x23: {  	s9 =	sor.u32 $0xD0000000, s2;
	s6 =	simm.s32 $0x108;
	_ =	swait.ge @!p0 [sflag:s8], $0x0  }
0x24: {  	s3 =	sadd.s32 $0x88, s3;
	s6 =	simm.s32 @!p1 $0x1082;
	[sflag:s4] =	ssyncset.s32 $0xFFFFF086  }
0x25: {  	[simem:s6], [sflag:s4] =	dma.local [hbm:s3], $0xF7A  }
0x26: {  	[smem:$0x3F93] =	sst s1;
	(tag) =	ssettag s2;
	_ =	strace s9  }
0x27: {  	s1 =	sld [smem:$0x3FA3]  }
0x28: {  	s2 =	sld [smem:$0x3FA4]  }
0x29: {  	s4 =	sld [smem:$0x3FA6]  }
0x2a: {  	p0 =	seq.s32 s5, $0x0;
	s5 =	sld [smem:$0x3FA7]  }
0x2b: {  	s6 =	sld [smem:$0x3FA8]  }
0x2c: {  	s7 =	sld [smem:$0x3FA9]  }
0x2d: {  	s3 =	simm.s32 $0x108;
	s8 =	sld [smem:$0x3FAA]  }
0x2e: {  	s3 =	simm.s32 @!p0 $0x1082;
	s9 =	sld [smem:$0x3FAB]  }
0x2f: {  	lr =	sadd.s32 s0, s3;
	s0 =	sld [smem:$0x3FA2]  }
0x30: {  	s3 =	sld [smem:$0x3FA5]  }
0x31: {  	[smem:$0x3FAE] =	sst s10  }
0x32: {  	s10 =	sld [smem:$0x3FAC];
	_ =	sdelay $0x3  }
0x33: {  	p0 =	seq.s32 s10, $0x1;
	s10 =	sld [smem:$0x3FAE];
	_ =	sdelay $0x3  }
0x34: {  	[smem:$0x3FAE] =	sst s10  }
0x35: {  	s10 =	sld [smem:$0x3FAD];
	_ =	sdelay $0x3  }
0x36: {  	p1 =	seq.s32 s10, $0x1;
	s10 =	sld [smem:$0x3FAE];
	_ =	sdelay $0x3  }
0x37: {  	[smem:$0x3FAE] =	sst s10  }
0x38: {  	s10 =	sld [smem:$0x3FAF]  }
0x39: {  	_ = 	snop;
	(pc) =	sbr.ind lr, $3  }
0x3a: {  	_ = 	snop  }
0x3b: {  	_ = 	snop  }
0x3c: {  	p2 =	seq.s32 s10, $0x1;
	s10 =	sld [smem:$0x3FAE]  }
0x3d: {  	_ =	shalt  }
0x3e: {  	_ =	shalt  }
0x3f: {  	_ =	shalt  }
0x40: {  	_ =	shalt  }
0x41: {  	_ =	shalt  }
0x42: {  	_ =	shalt  }
0x43: {  	_ =	shalt  }
0x44: {  	_ =	shalt  }
0x45: {  	_ =	shalt  }
0x46: {  	_ =	shalt  }
0x47: {  	_ =	shalt  }
0x48: {  	_ =	shalt  }
0x49: {  	_ =	shalt  }
0x4a: {  	_ =	shalt  }
0x4b: {  	_ =	shalt  }
0x4c: {  	_ =	shalt  }
0x4d: {  	_ =	shalt  }
0x4e: {  	_ =	shalt  }
0x4f: {  	_ =	shalt  }
0x50: {  	_ =	shalt  }
0x51: {  	_ =	shalt  }
0x52: {  	_ =	shalt  }
0x53: {  	_ =	shalt  }
0x54: {  	_ =	shalt  }
0x55: {  	_ =	shalt  }
0x56: {  	_ =	shalt  }
0x57: {  	_ =	shalt  }
0x58: {  	_ =	shalt  }
0x59: {  	_ =	shalt  }
0x5a: {  	_ =	shalt  }
0x5b: {  	_ =	shalt  }
0x5c: {  	_ =	shalt  }
0x5d: {  	_ =	shalt  }
0x5e: {  	_ =	shalt  }
0x5f: {  	_ =	shalt  }
0x60: {  	_ =	shalt  }
0x61: {  	_ =	shalt  }
0x62: {  	_ =	shalt  }
0x63: {  	_ =	shalt  }
0x64: {  	_ =	shalt  }
0x65: {  	_ =	shalt  }
0x66: {  	_ =	shalt  }
0x67: {  	_ =	shalt  }
0x68: {  	_ =	shalt  }
0x69: {  	_ =	shalt  }
0x6a: {  	_ =	shalt  }
0x6b: {  	_ =	shalt  }
0x6c: {  	_ =	shalt  }
0x6d: {  	_ =	shalt  }
0x6e: {  	_ =	shalt  }
0x6f: {  	_ =	shalt  }
0x70: {  	_ =	shalt  }
0x71: {  	_ =	shalt  }
0x72: {  	_ =	shalt  }
0x73: {  	_ =	shalt  }
0x74: {  	_ =	shalt  }
0x75: {  	_ =	shalt  }
0x76: {  	_ =	shalt  }
0x77: {  	_ =	shalt  }
0x78: {  	_ =	shalt  }
0x79: {  	_ =	shalt  }
0x7a: {  	_ =	shalt  }
0x7b: {  	_ =	shalt  }
0x7c: {  	_ =	shalt  }
0x7d: {  	_ =	shalt  }
0x7e: {  	_ =	shalt  }
0x7f: {  	_ =	shalt  }
0x80: {  	_ =	shalt  }
0x81: {  	_ =	shalt  }
0x82: {  	_ =	shalt  }
0x83: {  	_ =	shalt  }
0x84: {  	_ =	shalt  }
0x85: {  	_ =	shalt  }
0x86: {  	_ =	shalt  }
0x87: {  	_ =	shalt  }
.Lfunc_end0:
.L_simem_size_0:
called_computation.2_lowered:
.L_overlay_start_0:
0x88: {  	s2 =	sld [smem:$0x3FD9]  }
0x89: {  	s3 =	sld [smem:$0x3FFE];
	_ =	sdelay $0x1  }
0x8a: {  	s1 =	srdreg.scid  }
0x8b: {  	s0 =	sand.u32 $0x1, s1  }
0x8c: {  	s17 =	sshll.u32 s0, $0xA;
	s2 =	sadd.s32 s3, s2  }
0x8d: {  	s2 =	sadd.s32 s2, s17  }
0x8e: {  	[smem:$0x3FBA] =	sst s2  }
0x8f: {  	_ = 	snop  }
0x90: {  	s2 =	sld [smem:$0x3FD0];
	(tm) =	ssettm $0x1  }
0x91: {  	s18 =	sld [smem:$0x3FFB];
	_ =	sdelay $0x3  }
0x92: {  	_ =	strace s18  }
0x93: {  	s3 =	sld [smem:$0x3FFC];
	_ =	sdelay $0x3  }
0x94: {  	_ =	strace s3  }
0x95: {  	s3 =	sld [smem:$0x3FFD];
	_ =	sdelay $0x3  }
0x96: {  	_ =	strace s3  }
0x97: {  	_ =	strace $0x8FFFFFFF  }
0x98: {  	s19 =	sld [smem:$0x3FDB];
	_ =	sdelay $0x1  }
0x99: {  	s4 =	simm.s32 $_scs_section_size  }
0x9a: {  	s5 =	simm.s32 $_size__tile_overlayer_lowered;
	s6 =	simm.s32 $_tile_overlayer_lowered  }
0x9b: {  	s22 =	simm.s32 $0x1BFF;
	s21 =	sshll.u32 s6, $0x1;
	s3 =	sadd.s32 s4, s19  }
0x9c: {  	s7 =	simm.s32 $0x0;
	s20 =	sshll.u32 s5, $0x1;
	s5 =	sadd.s32 s21, s3  }
0x9d: {  	[timem:s7], [sflag:s22] =	dma.local [hbm:s5], s20  }
0x9e: {  	_ =	swait.ge [sflag:s22], s20  }
0x9f: {  	s4 =	ssub.s32 $0x0, s20;
	[sflag:s22] =	ssyncset.done $0x0  }
0xa0: {  	[sflag:s22] =	ssyncadd.s32 s4;
	_ =	sdelay $0x1  }
0xa1: {  	s23 =	simm.s32 $0x1B8B  }
0xa2: {  	_ =	swait.ge [sflag:s23], $0x1  }
0xa3: {  	[sflag:s23] =	ssyncset.done $0x0  }
0xa4: {  	s25 =	simm.s32 $0x1B8E;
	s24 =	sld [smem:$0x3FFE];
	[sflag:s23] =	ssyncadd.s32 $0xFFFFFFFF  }
0xa5: {  	s26 =	simm.s32 $execute0_lowered;
	[smem:$0x3FD2] =	sst s25  }
0xa6: {  	s5 =	sshll.u32 s26, $0x1;
	_ =	strace $0x80000049;
	[dreg:$0x1] =	wrdreg $0xFFFFFFFF  }
0xa7: {  	s28 =	simm.s32 $_size_execute0_lowered;
	s3 =	sadd.s32 s3, s5;
	[dreg:$0x0] =	wrdreg $0x0  }
0xa8: {  	s5 =	sshll.u32 s28, $0x1;
	[dreg:$0x2] =	wrdreg s3  }
0xa9: {  	[dreg:$0x3] =	wrdreg s5  }
0xaa: {  	[dreg:$0x4] =	wrdreg $0xC0  }
0xab: {  	_ =	task [dreg:s7], $0x5FFFF  }
0xac: {  	[dreg:$0x1] =	wrdreg $0xFFFFFFFF  }
0xad: {  	[dreg:$0x0] =	wrdreg $0x60  }
0xae: {  	[dreg:$0x2] =	wrdreg s24  }
0xaf: {  	[dreg:$0x3] =	wrdreg s2  }
0xb0: {  	[dreg:$0x4] =	wrdreg $0xA8000  }
0xb1: {  	[dreg:$0x5] =	wrdreg $0xA  }
0xb2: {  	_ =	task.clear_ibuf [dreg:s7], $0x6FFFF;
	_ =	strace $0x90000049  }
0xb3: {  	s29 =	simm.s32 $0xA;
	_ =	strace $0x8000004B  }
0xb4: {  	_ =	swait.ge [sflag:s29], $0x1  }
0xb5: {  	[sflag:s29] =	ssyncadd.s32 $0xFFFFFFFF  }
0xb6: {  	_ =	strace $0x9000004B  }
0xb7: {  	_ =	sfence  }
0xb8: {  	s30 =	sld [smem:$0x0];
	_ =	sdelay $0x2  }
0xb9: {  	s31 =	sshll.u32 s1, $0xD;
	s1 =	sshrl.u32 s1, $0x2  }
0xba: {  	s3 =	sand.u32 $0x4000, s31;
	s1 =	sadd.s32 s1, s30  }
0xbb: {  	s0 =	sor.u32 s3, s0;
	s1 =	sshll.u32 s1, $0x11  }
0xbc: {  	s0 =	sor.u32 s1, s0  }
0xbd: {  	s0 =	sadd.s32 $0x8F2B, s0  }
0xbe: {  	[sflag:s0] =	ssyncadd.remote.s32 $0x1  }
0xbf: {  	_ =	sfence.sel $0xFFFF  }
0xc0: {  	[dreg:$0x0] =	wrdreg $0xFFFFFFFF;
	(pc) =	sbr.abs _section_cstart, $3  }
0xc1: {  	[dreg:$0x1] =	wrdreg $0xFFFFFFFF  }
0xc2: {  	_ =	task.clear_ibuf [dreg:s7], $0x2FFFF;
	_ =	strace $0x9FFFFFFF  }
0xc3: {  	(tm) =	ssettm $0x7FFFFFFF  }
tec
execute0_lowered:
.L_overlay_start_1:
0x0: {  	(tag) =	ssettag $0x1  }
0x1: {  	s5 =	rddreg [dreg:$0x0]  }
0x2: {  	s1 =	srdreg.scid;
	s2 =	rddreg [dreg:$0x1]  }
0x3: {  	s0 =	stileid.u32;
	s3 =	rddreg [dreg:$0x2];
	s4 =	simm.s32 $0x0  }
0x4: {  	s16 =	simm.s32 $0x6800;
	s17 =	simm.s32 $0x2;
	s9 =	smul.u32 $0x14000, s0  }
0x5: {  	s18 =	simm.s32 $0x0;
	s7 =	sand.u32 $0x1, s1;
	s11 =	smul.u32 $0x50000, s0  }
0x6: {  	s26 =	sshll.u32 s0, $0x1;
	[smem:$0x7FF] =	sst s4;
	s15 =	smul.u32 $0x280000, s0  }
0x7: {  	s12 =	sadd.s32 $0x143FC00, s5;
	s14 =	sshll.u32 s0, $0x6;
	s8 =	smul.u32 $0x140000, s7  }
0x8: {  	s1 =	sor.u32 s7, s26;
	s10 =	ssub.s32 $0x2, s7;
	s29 =	smul.u32 $0x28000, s7  }
0x9: {  	s6 =	smul.u32 $0x2800, s1;
	s1 =	rddreg [dreg:$0x3];
	_ =	strace $0x8000004A  }
0xa: {  	s28 =	sshrl.u32 s10, $0x1;
	s13 =	sshrl.u32 s11, $0x2;
	s11 =	sadd.s32 s11, s12  }
0xb: {  	s9 =	sadd.s32 s9, s8;
	s10 =	ssub.s32 s10, s28;
	s13 =	sadd.s32 s13, s3  }
0xc: {  	s8 =	sadd.s32 s8, s15;
	s31 =	sadd.s32 s29, s11;
	s15 =	simm.s32 $0x80  }
0xd: {  	s6 =	sshrl.u32 s6, $0x3;
	s9 =	sshrl.u32 s9, $0x3;
	s30 =	sshrl.u32 s8, $0x3  }
0xe: {  	s8 =	smax.u32 s10, $0x1;
	s10 =	sadd.s32 $0x800, s31;
	s11 =	sshrl.u32 s13, $0x3  }
0xf: {  	s13 =	simm.s32 $0x2800;
	s6 =	sadd.s32 s6, s5;
	s9 =	sadd.s32 s9, s5  }
0x10: {  	s5 =	sor.u32 $0x1C03, s14;
	s14 =	simm.s32 $0x1;
	s6 =	sadd.s32 $0x3C00, s6  }
0x11: {  	s7 =	sadd.s32 $0xDC00, s9;
	s9 =	sadd.s32 s30, s12;
	s12 =	simm.s32 $0x3  }
.LBB2_1:
0x12: {  	[spmem:s11], [sflag:s5] =	dma.local [hbm:s2], $0x2800  }
0x13: {  	_ =	swait.ge [sflag:s12], $0x2800  }
0x14: {  	[sflag:s12] =	ssyncset.done $0x0  }
0x15: {  	[sflag:s12] =	ssyncadd.s32 $0xFFFFD800  }
0x16: {  	[tilespmem:s4], [sflag:$0x3] =	stream.linear.gather [hbm4b:s6+s4], $0x2800, $0x38;
	[tilespmem:$0x1E800] =	vst v63  }
0x17: {  	_ =	swait.ge [sflag:s12], $0x2800  }
0x18: {  	[sflag:s12] =	ssyncset.done $0x0  }
0x19: {  	[sflag:s12] =	ssyncadd.s32 $0xFFFFD800  }
0x1a: {  	s19 =	sadd.s32 $0x0, s9;
	[bflag:$0x0] =	sbarrier.arrive $0xFFFF  }
0x1b: {  	[tilespmem:s13], [sflag:$0x1] =	stream.linear.gather [hbm4b:s19+s4], $0x4000, $0x38;
	[tilespmem:$0x1E800] =	vst v63  }
0x1c: {  	_ =	swait.ge [sflag:s14], $0x4000  }
0x1d: {  	[sflag:s14] =	ssyncset.done $0x0  }
0x1e: {  	[sflag:s14] =	ssyncadd.s32 $0xFFFFC000  }
0x1f: {  	[spmem:s3] =	stream.indirect.scatter.add.f32 [tilespmem:s13], [sflag:$0x3], $0x80, s4, s15, $0xb8;
	[tilespmem:$0x1E800] =	vst v63  }
0x20: {  	_ =	swait.ge [sflag:s12], $0x4000  }
0x21: {  	[sflag:s12] =	ssyncset.done $0x0  }
0x22: {  	s30 =	sadd.s32 $0x0, s10;
	[sflag:s12] =	ssyncadd.s32 $0xFFFFC000  }
0x23: {  	[tilespmem:s16], [sflag:$0x2] =	stream.linear.gather [hbm4b:s30+s4], $0x4000, $0x38;
	[tilespmem:$0x1E800] =	vst v63  }
0x24: {  	_ =	swait.ge [sflag:s17], $0x4000  }
0x25: {  	[sflag:s17] =	ssyncset.done $0x0  }
0x26: {  	s31 =	simm.s32 $0x80;
	[sflag:s17] =	ssyncadd.s32 $0xFFFFC000  }
0x27: {  	[spmem:s3] =	stream.indirect.scatter.add.f32 [tilespmem:s16], [sflag:$0x3], $0x80, s31, s15, $0xb8;
	[tilespmem:$0x1E800] =	vst v63  }
0x28: {  	s20 =	simm.s32 $0x1000;
	_ =	swait.ge [sflag:s12], $0x4000  }
0x29: {  	s21 =	simm.s32 $0x2000;
	s19 =	simm.s32 $0x100;
	[sflag:s12] =	ssyncset.done $0x0  }
.LBB2_2:
0x2a: {  	s22 =	sadd.s32 s20, s9  }
0x2b: {  	[sflag:s12] =	ssyncadd.s32 $0xFFFFC000;
	s23 =	smov.u32 s21;
	s24 =	sadd.s32 $0x1000, s21  }
0x2c: {  	[tilespmem:s13], [sflag:$0x1] =	stream.linear.gather [hbm4b:s22+s4], $0x4000, $0x38;
	[tilespmem:$0x1E800] =	vst v63  }
0x2d: {  	p0 =	sne.s32 s21, $0x27000;
	_ =	swait.ge [sflag:s14], $0x4000  }
0x2e: {  	[sflag:s14] =	ssyncset.done $0x0  }
0x2f: {  	[sflag:s14] =	ssyncadd.s32 $0xFFFFC000  }
0x30: {  	[spmem:s3] =	stream.indirect.scatter.add.f32 [tilespmem:s13], [sflag:$0x3], $0x80, s19, s15, $0xb8;
	[tilespmem:$0x1E800] =	vst v63  }
0x31: {  	_ =	swait.ge [sflag:s12], $0x4000  }
0x32: {  	[sflag:s12] =	ssyncset.done $0x0  }
0x33: {  	s21 =	sadd.s32 s20, s10;
	s20 =	smov.u32 s23;
	[sflag:s12] =	ssyncadd.s32 $0xFFFFC000  }
0x34: {  	[tilespmem:s16], [sflag:$0x2] =	stream.linear.gather [hbm4b:s21+s4], $0x4000, $0x38;
	[tilespmem:$0x1E800] =	vst v63  }
0x35: {  	_ =	swait.ge [sflag:s17], $0x4000  }
.Ltmp0:
0x36: {  	[sflag:s17] =	ssyncset.done $0x0;
	(pc) =	sbr.rel @p0 .LBB2_2-.Ltmp0, $4  }
0x37: {  	s21 =	sadd.s32 $0x80, s19;
	[sflag:s17] =	ssyncadd.s32 $0xFFFFC000  }
0x38: {  	[spmem:s3] =	stream.indirect.scatter.add.f32 [tilespmem:s16], [sflag:$0x3], $0x80, s21, s15, $0xb8;
	[tilespmem:$0x1E800] =	vst v63  }
0x39: {  	_ =	swait.ge [sflag:s12], $0x4000  }
0x3a: {  	s19 =	sadd.s32 $0x100, s19;
	s21 =	smov.u32 s24;
	[sflag:s12] =	ssyncset.done $0x0  }
0x3b: {  	s21 =	sadd.s32 s20, s9;
	[sflag:s12] =	ssyncadd.s32 $0xFFFFC000  }
0x3c: {  	[tilespmem:s13], [sflag:$0x1] =	stream.linear.gather [hbm4b:s21+s4], $0x4000, $0x38;
	[tilespmem:$0x1E800] =	vst v63  }
0x3d: {  	_ =	swait.ge [sflag:s14], $0x4000  }
0x3e: {  	[sflag:s14] =	ssyncset.done $0x0  }
0x3f: {  	[sflag:s14] =	ssyncadd.s32 $0xFFFFC000  }
0x40: {  	[spmem:s3] =	stream.indirect.scatter.add.f32 [tilespmem:s13], [sflag:$0x3], $0x80, s19, s15, $0xb8;
	[tilespmem:$0x1E800] =	vst v63  }
0x41: {  	_ =	swait.ge [sflag:s12], $0x4000  }
0x42: {  	[sflag:s12] =	ssyncset.done $0x0  }
0x43: {  	s30 =	sadd.s32 s20, s10;
	[sflag:s12] =	ssyncadd.s32 $0xFFFFC000  }
0x44: {  	[tilespmem:s16], [sflag:$0x2] =	stream.linear.gather [hbm4b:s30+s4], $0x4000, $0x38;
	[tilespmem:$0x1E800] =	vst v63  }
0x45: {  	_ =	swait.ge [sflag:s17], $0x4000  }
0x46: {  	[sflag:s17] =	ssyncset.done $0x0  }
0x47: {  	s31 =	sadd.s32 $0x80, s19;
	[sflag:s17] =	ssyncadd.s32 $0xFFFFC000  }
0x48: {  	[spmem:s3] =	stream.indirect.scatter.add.f32 [tilespmem:s16], [sflag:$0x3], $0x80, s31, s15, $0xb8;
	[tilespmem:$0x1E800] =	vst v63  }
0x49: {  	_ =	swait.ge [sflag:s12], $0x4000  }
0x4a: {  	s18 =	sadd.s32 $0x1, s18;
	[sflag:s12] =	ssyncset.done $0x0  }
0x4b: {  	p0 =	sne.s32 s18, s8;
	[sflag:s12] =	ssyncadd.s32 $0xFFFFC000  }
.Ltmp1:
0x4c: {  	[bflag:$0x0] =	sbarrier.arrive $0xFFFF;
	(pc) =	sbr.rel @p0 .LBB2_1-.Ltmp1, $4  }
0x4d: {  	[hbm:s7], [sflag:s5] =	dma.local [spmem:s11], $0x2800  }
0x4e: {  	_ =	swait.ge [sflag:s12], $0x2800  }
0x4f: {  	[sflag:s12] =	ssyncset.done $0x0  }
0x50: {  	[sflag:s12] =	ssyncadd.s32 $0xFFFFD800  }
0x51: {  	_ =	sfence.sel $0x180000  }
0x52: {  	[bflag:$0x0] =	sbarrier.arrive $0xFFFF  }
0x53: {  	p0 =	sne.s32 s0, $0x0;
	_ =	strace $0x9000004A  }
0x54: {  	s0 =	sadd.s32 @!p0 $0x100000, s1;
	[bflag:$0x2] =	sbarrier.arrive $0xFFFF  }
0x55: {  	[sflag:s0] =	ssyncadd.tile.s32 @!p0 $0x1;
	_ =	shalt  }
.Lfunc_end2:
_tile_overlayer_lowered:
.L_overlay_start_2:
0x56: {  	(tag) =	ssettag $0x2  }
0x57: {  	s0 =	rddreg [dreg:$0x0];
	s2 =	stileid.u32  }
0x58: {  	s1 =	rddreg [dreg:$0x1];
	p0 =	sne.s32 s2, $0x0  }
0x59: {  	s3 =	rddreg [dreg:$0x2];
	[bflag:$0x3] =	sbarrier.arrive $0xFFFF;
	s2 =	simm.s32 @!p0 $0x1C03  }
0x5a: {  	[timem:s3], [sflag:s2] =	dma.local @!p0 [hbm:s0], s1  }
0x5b: {  	s0 =	simm.s32 @!p0 $0x3  }
0x5c: {  	_ =	swait.ge @!p0 [sflag:s0], s1  }
0x5d: {  	s1 =	ssub.s32 @!p0 $0x0, s1;
	[sflag:s0] =	ssyncset.done @!p0 $0x0  }
0x5e: {  	[sflag:s0] =	ssyncadd.s32 @!p0 s1  }
0x5f: {  	[bflag:$0x3] =	sbarrier.arrive $0xFFFF  }
0x60: {  	_ =	shalt  }

// kernel: kernel.8.cloned.1.call-start
scs
__scs_entry_jumppad:
0x0: {  	(pc) =	sbr.rel $0x88, $3  }
0x1: {  	(tag) =	ssettag $0x0;
	lr =	simm.s32 $0x1  }
0x2: {  	[smem:$0x3F93] =	sst lr;
	_ =	strace $0xD0000000  }
0x3: {  	_ = 	snop  }
0x4: {  	_ = 	snop  }
0x5: {  	_ = 	snop  }
0x6: {  	_ = 	snop  }
0x7: {  	_ = 	snop  }
__scs_overlays_trampoline_lowered:
0x8: {  	[smem:$0x3FA2] =	sst s0  }
0x9: {  	[smem:$0x3FA3] =	sst s1  }
0xa: {  	[smem:$0x3FA4] =	sst s2  }
0xb: {  	[smem:$0x3FA5] =	sst s3  }
0xc: {  	[smem:$0x3FA6] =	sst s4  }
0xd: {  	[smem:$0x3FA7] =	sst s5  }
0xe: {  	[smem:$0x3FA8] =	sst s6  }
0xf: {  	[smem:$0x3FA9] =	sst s7  }
0x10: {  	[smem:$0x3FAA] =	sst s8  }
0x11: {  	[smem:$0x3FAB] =	sst s9;
	s0 =	simm.s32 @!p0 $0x0  }
0x12: {  	s1 =	sld [smem:$0x3F91];
	s0 =	simm.s32 @p0 $0x1  }
0x13: {  	[smem:$0x3FAC] =	sst s0;
	s0 =	simm.s32 @!p1 $0x0  }
0x14: {  	s2 =	sld [smem:$0x3F90];
	s0 =	simm.s32 @p1 $0x1  }
0x15: {  	[smem:$0x3FAD] =	sst s0;
	s0 =	simm.s32 @!p2 $0x0  }
0x16: {  	s3 =	sld [smem:$0x3FDB];
	s0 =	simm.s32 @p2 $0x1  }
0x17: {  	s4 =	simm.s32 $0x1BF5;
	[smem:$0x3FAF] =	sst s0  }
0x18: {  	s0 =	sld [smem:$0x3F92];
	_ =	swait.ge [sflag:s4], $0x0  }
0x19: {  	s7 =	sld [smem:$0x3F93]  }
0x1a: {  	s8 =	sadd.s32 $0xFFFFE003, lr  }
0x1b: {  	s9 =	sadd.s32 $0xFFFFFEF7, lr;
	s5 =	simm.s32 $0xFFFFFFFF;
	p2 =	slt.u32 s8, $0xFFFFF086  }
0x1c: {  	p1 =	slt.u32 s9, $0xF7A;
	s5 =	simm.s32 @!p2 $0x0  }
0x1d: {  	s5 =	simm.s32 @p1 $0x1;
	p0 =	seq.s32 s7, s2  }
0x1e: {  	s7 =	smul.u32 @!p0 $0xF7A, s2;
	p2 =	seq.s32 @!p0 s5, $0x0  }
0x1f: {  	s9 =	smul.u32 $0xF7A, s1;
	s8 =	simm.s32 @!p0 $0x1BF5;
	p2 =	por !p2, p0  }
0x20: {  	[sflag:s8] =	ssyncset.s32 @!p0 $0xFFFFF086;
	s6 =	sadd.s32 @!p0 s3, s7;
	s7 =	simm.s32 @!p0 $0x108  }
0x21: {  	s3 =	sadd.s32 s3, s9;
	s6 =	sadd.s32 @!p0 $0x88, s6;
	s7 =	simm.s32 @p2 $0x1082  }
0x22: {  	[simem:s7], [sflag:s8] =	dma.local @!p0 [hbm:s6], $0xF7A  }
0x23: {  	s9 =	sor.u32 $0xD0000000, s2;
	s6 =	simm.s32 $0x108;
	_ =	swait.ge @!p0 [sflag:s8], $0x0  }
0x24: {  	s3 =	sadd.s32 $0x88, s3;
	s6 =	simm.s32 @!p1 $0x1082;
	[sflag:s4] =	ssyncset.s32 $0xFFFFF086  }
0x25: {  	[simem:s6], [sflag:s4] =	dma.local [hbm:s3], $0xF7A  }
0x26: {  	[smem:$0x3F93] =	sst s1;
	(tag) =	ssettag s2;
	_ =	strace s9  }
0x27: {  	s1 =	sld [smem:$0x3FA3]  }
0x28: {  	s2 =	sld [smem:$0x3FA4]  }
0x29: {  	s4 =	sld [smem:$0x3FA6]  }
0x2a: {  	p0 =	seq.s32 s5, $0x0;
	s5 =	sld [smem:$0x3FA7]  }
0x2b: {  	s6 =	sld [smem:$0x3FA8]  }
0x2c: {  	s7 =	sld [smem:$0x3FA9]  }
0x2d: {  	s3 =	simm.s32 $0x108;
	s8 =	sld [smem:$0x3FAA]  }
0x2e: {  	s3 =	simm.s32 @!p0 $0x1082;
	s9 =	sld [smem:$0x3FAB]  }
0x2f: {  	lr =	sadd.s32 s0, s3;
	s0 =	sld [smem:$0x3FA2]  }
0x30: {  	s3 =	sld [smem:$0x3FA5]  }
0x31: {  	[smem:$0x3FAE] =	sst s10  }
0x32: {  	s10 =	sld [smem:$0x3FAC];
	_ =	sdelay $0x3  }
0x33: {  	p0 =	seq.s32 s10, $0x1;
	s10 =	sld [smem:$0x3FAE];
	_ =	sdelay $0x3  }
0x34: {  	[smem:$0x3FAE] =	sst s10  }
0x35: {  	s10 =	sld [smem:$0x3FAD];
	_ =	sdelay $0x3  }
0x36: {  	p1 =	seq.s32 s10, $0x1;
	s10 =	sld [smem:$0x3FAE];
	_ =	sdelay $0x3  }
0x37: {  	[smem:$0x3FAE] =	sst s10  }
0x38: {  	s10 =	sld [smem:$0x3FAF]  }
0x39: {  	_ = 	snop;
	(pc) =	sbr.ind lr, $3  }
0x3a: {  	_ = 	snop  }
0x3b: {  	_ = 	snop  }
0x3c: {  	p2 =	seq.s32 s10, $0x1;
	s10 =	sld [smem:$0x3FAE]  }
0x3d: {  	_ =	shalt  }
0x3e: {  	_ =	shalt  }
0x3f: {  	_ =	shalt  }
0x40: {  	_ =	shalt  }
0x41: {  	_ =	shalt  }
0x42: {  	_ =	shalt  }
0x43: {  	_ =	shalt  }
0x44: {  	_ =	shalt  }
0x45: {  	_ =	shalt  }
0x46: {  	_ =	shalt  }
0x47: {  	_ =	shalt  }
0x48: {  	_ =	shalt  }
0x49: {  	_ =	shalt  }
0x4a: {  	_ =	shalt  }
0x4b: {  	_ =	shalt  }
0x4c: {  	_ =	shalt  }
0x4d: {  	_ =	shalt  }
0x4e: {  	_ =	shalt  }
0x4f: {  	_ =	shalt  }
0x50: {  	_ =	shalt  }
0x51: {  	_ =	shalt  }
0x52: {  	_ =	shalt  }
0x53: {  	_ =	shalt  }
0x54: {  	_ =	shalt  }
0x55: {  	_ =	shalt  }
0x56: {  	_ =	shalt  }
0x57: {  	_ =	shalt  }
0x58: {  	_ =	shalt  }
0x59: {  	_ =	shalt  }
0x5a: {  	_ =	shalt  }
0x5b: {  	_ =	shalt  }
0x5c: {  	_ =	shalt  }
0x5d: {  	_ =	shalt  }
0x5e: {  	_ =	shalt  }
0x5f: {  	_ =	shalt  }
0x60: {  	_ =	shalt  }
0x61: {  	_ =	shalt  }
0x62: {  	_ =	shalt  }
0x63: {  	_ =	shalt  }
0x64: {  	_ =	shalt  }
0x65: {  	_ =	shalt  }
0x66: {  	_ =	shalt  }
0x67: {  	_ =	shalt  }
0x68: {  	_ =	shalt  }
0x69: {  	_ =	shalt  }
0x6a: {  	_ =	shalt  }
0x6b: {  	_ =	shalt  }
0x6c: {  	_ =	shalt  }
0x6d: {  	_ =	shalt  }
0x6e: {  	_ =	shalt  }
0x6f: {  	_ =	shalt  }
0x70: {  	_ =	shalt  }
0x71: {  	_ =	shalt  }
0x72: {  	_ =	shalt  }
0x73: {  	_ =	shalt  }
0x74: {  	_ =	shalt  }
0x75: {  	_ =	shalt  }
0x76: {  	_ =	shalt  }
0x77: {  	_ =	shalt  }
0x78: {  	_ =	shalt  }
0x79: {  	_ =	shalt  }
0x7a: {  	_ =	shalt  }
0x7b: {  	_ =	shalt  }
0x7c: {  	_ =	shalt  }
0x7d: {  	_ =	shalt  }
0x7e: {  	_ =	shalt  }
0x7f: {  	_ =	shalt  }
0x80: {  	_ =	shalt  }
0x81: {  	_ =	shalt  }
0x82: {  	_ =	shalt  }
0x83: {  	_ =	shalt  }
0x84: {  	_ =	shalt  }
0x85: {  	_ =	shalt  }
0x86: {  	_ =	shalt  }
0x87: {  	_ =	shalt  }
.Lfunc_end0:
.L_simem_size_0:
called_computation_lowered:
.L_overlay_start_0:
0x88: {  	s2 =	sld [smem:$0x3FD9]  }
0x89: {  	s3 =	sld [smem:$0x3FFE];
	_ =	sdelay $0x1  }
0x8a: {  	s1 =	srdreg.scid  }
0x8b: {  	s0 =	sand.u32 $0x1, s1  }
0x8c: {  	s17 =	sshll.u32 s0, $0xA;
	s2 =	sadd.s32 s3, s2  }
0x8d: {  	s2 =	sadd.s32 s2, s17  }
0x8e: {  	[smem:$0x3FBA] =	sst s2  }
0x8f: {  	_ = 	snop  }
0x90: {  	s2 =	sld [smem:$0x3FD0];
	(tm) =	ssettm $0x1  }
0x91: {  	s18 =	sld [smem:$0x3FFB];
	_ =	sdelay $0x3  }
0x92: {  	_ =	strace s18  }
0x93: {  	s3 =	sld [smem:$0x3FFC];
	_ =	sdelay $0x3  }
0x94: {  	_ =	strace s3  }
0x95: {  	s3 =	sld [smem:$0x3FFD];
	_ =	sdelay $0x3  }
0x96: {  	_ =	strace s3  }
0x97: {  	_ =	strace $0x8FFFFFFF  }
0x98: {  	s19 =	sld [smem:$0x3FDB];
	_ =	sdelay $0x1  }
0x99: {  	s4 =	simm.s32 $_scs_section_size  }
0x9a: {  	s5 =	simm.s32 $_size__tile_overlayer_lowered;
	s6 =	simm.s32 $_tile_overlayer_lowered  }
0x9b: {  	s22 =	simm.s32 $0x1BFF;
	s21 =	sshll.u32 s6, $0x1;
	s3 =	sadd.s32 s4, s19  }
0x9c: {  	s7 =	simm.s32 $0x0;
	s20 =	sshll.u32 s5, $0x1;
	s5 =	sadd.s32 s21, s3  }
0x9d: {  	[timem:s7], [sflag:s22] =	dma.local [hbm:s5], s20  }
0x9e: {  	_ =	swait.ge [sflag:s22], s20  }
0x9f: {  	s4 =	ssub.s32 $0x0, s20;
	[sflag:s22] =	ssyncset.done $0x0  }
0xa0: {  	[sflag:s22] =	ssyncadd.s32 s4;
	_ =	sdelay $0x1  }
0xa1: {  	s23 =	simm.s32 $0x1B8B  }
0xa2: {  	_ =	swait.ge [sflag:s23], $0x1  }
0xa3: {  	[sflag:s23] =	ssyncset.done $0x0  }
0xa4: {  	s25 =	simm.s32 $0x1B8E;
	s24 =	sld [smem:$0x3FFE];
	[sflag:s23] =	ssyncadd.s32 $0xFFFFFFFF  }
0xa5: {  	s26 =	simm.s32 $execute0_lowered;
	[smem:$0x3FD2] =	sst s25  }
0xa6: {  	s5 =	sshll.u32 s26, $0x1;
	_ =	strace $0x80000046;
	[dreg:$0x1] =	wrdreg $0xFFFFFFFF  }
0xa7: {  	s28 =	simm.s32 $_size_execute0_lowered;
	s3 =	sadd.s32 s3, s5;
	[dreg:$0x0] =	wrdreg $0x0  }
0xa8: {  	s5 =	sshll.u32 s28, $0x1;
	[dreg:$0x2] =	wrdreg s3  }
0xa9: {  	[dreg:$0x3] =	wrdreg s5  }
0xaa: {  	[dreg:$0x4] =	wrdreg $0xC0  }
0xab: {  	_ =	task [dreg:s7], $0x5FFFF  }
0xac: {  	[dreg:$0x1] =	wrdreg $0xFFFFFFFF  }
0xad: {  	[dreg:$0x0] =	wrdreg $0x60  }
0xae: {  	[dreg:$0x2] =	wrdreg s24  }
0xaf: {  	[dreg:$0x3] =	wrdreg s2  }
0xb0: {  	[dreg:$0x4] =	wrdreg $0x9  }
0xb1: {  	_ =	task.clear_ibuf [dreg:s7], $0x5FFFF;
	_ =	strace $0x90000046  }
0xb2: {  	s29 =	simm.s32 $0x9;
	_ =	strace $0x80000048  }
0xb3: {  	_ =	swait.ge [sflag:s29], $0x1  }
0xb4: {  	[sflag:s29] =	ssyncadd.s32 $0xFFFFFFFF  }
0xb5: {  	_ =	strace $0x90000048  }
0xb6: {  	_ =	sfence  }
0xb7: {  	s30 =	sld [smem:$0x0];
	_ =	sdelay $0x2  }
0xb8: {  	s31 =	sshll.u32 s1, $0xD;
	s1 =	sshrl.u32 s1, $0x2  }
0xb9: {  	s3 =	sand.u32 $0x4000, s31;
	s1 =	sadd.s32 s1, s30  }
0xba: {  	s0 =	sor.u32 s3, s0;
	s1 =	sshll.u32 s1, $0x11  }
0xbb: {  	s0 =	sor.u32 s1, s0  }
0xbc: {  	s0 =	sadd.s32 $0x8F2B, s0  }
0xbd: {  	[sflag:s0] =	ssyncadd.remote.s32 $0x1  }
0xbe: {  	_ =	sfence.sel $0xFFFF  }
0xbf: {  	[dreg:$0x0] =	wrdreg $0xFFFFFFFF;
	(pc) =	sbr.abs _section_cstart, $3  }
0xc0: {  	[dreg:$0x1] =	wrdreg $0xFFFFFFFF  }
0xc1: {  	_ =	task.clear_ibuf [dreg:s7], $0x2FFFF;
	_ =	strace $0x9FFFFFFF  }
0xc2: {  	(tm) =	ssettm $0x7FFFFFFF  }
0xc3: {  	_ =	shalt  }
tec
execute0_lowered:
.L_overlay_start_1:
0x0: {  	(tag) =	ssettag $0x1  }
0x1: {  	s1 =	srdreg.scid;
	s5 =	rddreg [dreg:$0x0]  }
0x2: {  	s0 =	stileid.u32;
	s7 =	rddreg [dreg:$0x1]  }
0x3: {  	s2 =	simm.s32 $0x0;
	s12 =	simm.s32 $0x80;
	s13 =	simm.s32 $0x5000  }
0x4: {  	s14 =	simm.s32 $0x9000;
	s15 =	simm.s32 $0xD000;
	s16 =	simm.s32 $0x11000  }
0x5: {  	s17 =	simm.s32 $0x1;
	s18 =	simm.s32 $0x0;
	s4 =	sand.u32 $0x1, s1  }
0x6: {  	s29 =	sshll.u32 s0, $0x1;
	s3 =	smul.u32 $0x280000, s0;
	[smem:$0x7FF] =	sst s2  }
0x7: {  	s1 =	sor.u32 s4, s29;
	s8 =	smul.u32 $0x140000, s4;
	s10 =	ssub.s32 $0x2, s4  }
0x8: {  	s4 =	sadd.s32 $0x35C00, s5;
	s6 =	smul.u32 $0x500, s1;
	s1 =	rddreg [dreg:$0x2]  }
0x9: {  	_ =	strace $0x80000047;
	s30 =	sshrl.u32 s10, $0x1;
	s8 =	sadd.s32 s8, s3  }
0xa: {  	s3 =	sadd.s32 $0xDC00, s5;
	s31 =	ssub.s32 s10, s30;
	s10 =	simm.s32 $0x2  }
0xb: {  	s9 =	sadd.s32 s6, s5;
	s8 =	sshrl.u32 s8, $0x3;
	s6 =	sadd.s32 s7, s6  }
0xc: {  	s7 =	smax.u32 s31, $0x1;
	s11 =	sadd.s32 s8, s5;
	s5 =	sadd.s32 $0x3C00, s9  }
0xd: {  	s8 =	sadd.s32 $0x5DC00, s11;
	s9 =	sadd.s32 $0x55DC00, s11;
	s11 =	simm.s32 $0x2800  }
.LBB2_1:
0xe: {  	[tilespmem:s2], [sflag:$0x2] =	stream.linear.gather [hbm4b:s5+s2], $0x2800, $0x38;
	[tilespmem:$0x15000] =	vst v63  }
0xf: {  	_ =	swait.ge [sflag:s10], $0x2800  }
0x10: {  	[sflag:s10] =	ssyncset.done $0x0  }
0x11: {  	[sflag:s10] =	ssyncadd.s32 $0xFFFFD800  }
0x12: {  	[tilespmem:s11], [sflag:$0x2] =	stream.linear.gather [hbm4b:s6+s2], $0x2800, $0x38;
	[tilespmem:$0x15000] =	vst v63  }
0x13: {  	_ =	swait.ge [sflag:s10], $0x2800  }
0x14: {  	[sflag:s10] =	ssyncset.done $0x0  }
0x15: {  	s19 =	simm.s32 $0x0;
	[sflag:s10] =	ssyncadd.s32 $0xFFFFD800  }
0x16: {  	[tilespmem:s13], [sflag:$0x1] =	stream.indirect.gather [hbm4b:s3+s12], $0x80, s19, s12, $0xb8;
	[tilespmem:$0x15000] =	vst v63  }
0x17: {  	s28 =	simm.s32 $0x80  }
0x18: {  	[tilespmem:s14], [sflag:$0x1] =	stream.indirect.gather [hbm4b:s3+s12], $0x80, s28, s12, $0xb8;
	[tilespmem:$0x15000] =	vst v63  }
0x19: {  	s29 =	simm.s32 $0x100  }
0x1a: {  	[tilespmem:s15], [sflag:$0x1] =	stream.indirect.gather [hbm4b:s3+s12], $0x80, s29, s12, $0xb8;
	[tilespmem:$0x15000] =	vst v63  }
0x1b: {  	s30 =	simm.s32 $0x180  }
0x1c: {  	[tilespmem:s16], [sflag:$0x1] =	stream.indirect.gather [hbm4b:s3+s12], $0x80, s30, s12, $0xb8;
	[tilespmem:$0x15000] =	vst v63  }
0x1d: {  	_ =	swait.ge [sflag:s17], $0x4000  }
0x1e: {  	[sflag:s17] =	ssyncset.done $0x0  }
0x1f: {  	[sflag:s17] =	ssyncadd.s32 $0xFFFFC000  }
0x20: {  	_ =	swait.ge [sflag:s17], $0x4000  }
0x21: {  	[sflag:s17] =	ssyncset.done $0x0  }
0x22: {  	[sflag:s17] =	ssyncadd.s32 $0xFFFFC000  }
0x23: {  	_ =	swait.ge [sflag:s17], $0x4000  }
0x24: {  	[sflag:s17] =	ssyncset.done $0x0  }
0x25: {  	[sflag:s17] =	ssyncadd.s32 $0xFFFFC000  }
0x26: {  	_ =	swait.ge [sflag:s17], $0x4000  }
0x27: {  	[sflag:s17] =	ssyncset.done $0x0  }
0x28: {  	s31 =	sadd.s32 $0x0, s8;
	[sflag:s17] =	ssyncadd.s32 $0xFFFFC000  }
0x29: {  	[hbm4b:s31+s2] =	stream.linear.scatter [tilespmem:s13], [sflag:$0x2], $0x10000, $0x38;
	[tilespmem:$0x15000] =	vst v63  }
0x2a: {  	s22 =	simm.s32 $0x4000;
	_ =	swait.ge [sflag:s10], $0x10000  }
0x2b: {  	s20 =	simm.s32 $0x380;
	s19 =	simm.s32 $0x2000;
	[sflag:s10] =	ssyncset.done $0x0  }
.LBB2_2:
0x2c: {  	p0 =	sne.s32 s22, $0x26000;
	s21 =	sadd.s32 $0xFFFFFE80, s20;
	[sflag:s10] =	ssyncadd.s32 $0xFFFF0000  }
0x2d: {  	[tilespmem:s13], [sflag:$0x1] =	stream.indirect.gather [hbm4b:s3+s12], $0x80, s21, s12, $0xb8;
	[tilespmem:$0x15000] =	vst v63  }
0x2e: {  	s23 =	smov.u32 s22;
	s22 =	sadd.s32 $0x2000, s22;
	s21 =	sadd.s32 $0xFFFFFF00, s20  }
0x2f: {  	[tilespmem:s14], [sflag:$0x1] =	stream.indirect.gather [hbm4b:s3+s12], $0x80, s21, s12, $0xb8;
	[tilespmem:$0x15000] =	vst v63  }
0x30: {  	s21 =	sadd.s32 $0xFFFFFF80, s20  }
0x31: {  	[tilespmem:s15], [sflag:$0x1] =	stream.indirect.gather [hbm4b:s3+s12], $0x80, s21, s12, $0xb8;
	[tilespmem:$0x15000] =	vst v63  }
0x32: {  	_ = 	snop  }
0x33: {  	[tilespmem:s16], [sflag:$0x1] =	stream.indirect.gather [hbm4b:s3+s12], $0x80, s20, s12, $0xb8;
	[tilespmem:$0x15000] =	vst v63  }
0x34: {  	_ =	swait.ge [sflag:s17], $0x4000  }
0x35: {  	[sflag:s17] =	ssyncset.done $0x0  }
0x36: {  	[sflag:s17] =	ssyncadd.s32 $0xFFFFC000  }
0x37: {  	_ =	swait.ge [sflag:s17], $0x4000  }
0x38: {  	[sflag:s17] =	ssyncset.done $0x0  }
0x39: {  	[sflag:s17] =	ssyncadd.s32 $0xFFFFC000  }
0x3a: {  	_ =	swait.ge [sflag:s17], $0x4000  }
0x3b: {  	[sflag:s17] =	ssyncset.done $0x0  }
0x3c: {  	[sflag:s17] =	ssyncadd.s32 $0xFFFFC000  }
0x3d: {  	_ =	swait.ge [sflag:s17], $0x4000  }
.Ltmp0:
0x3e: {  	[sflag:s17] =	ssyncset.done $0x0;
	(pc) =	sbr.rel @p0 .LBB2_2-.Ltmp0, $4  }
0x3f: {  	s19 =	sadd.s32 s19, s8;
	s21 =	simm.s32 $0x0;
	[sflag:s17] =	ssyncadd.s32 $0xFFFFC000  }
0x40: {  	[hbm4b:s19+s21] =	stream.linear.scatter [tilespmem:s13], [sflag:$0x2], $0x10000, $0x38;
	[tilespmem:$0x15000] =	vst v63  }
0x41: {  	s19 =	smov.u32 s23;
	_ =	swait.ge [sflag:s10], $0x10000  }
0x42: {  	s20 =	sadd.s32 $0x200, s20;
	[sflag:s10] =	ssyncset.done $0x0  }
0x43: {  	s22 =	sadd.s32 $0xFFFFFE80, s20;
	[sflag:s10] =	ssyncadd.s32 $0xFFFF0000  }
0x44: {  	[tilespmem:s13], [sflag:$0x1] =	stream.indirect.gather [hbm4b:s3+s12], $0x80, s22, s12, $0xb8;
	[tilespmem:$0x15000] =	vst v63  }
0x45: {  	s30 =	sadd.s32 $0xFFFFFF00, s20  }
0x46: {  	[tilespmem:s14], [sflag:$0x1] =	stream.indirect.gather [hbm4b:s3+s12], $0x80, s30, s12, $0xb8;
	[tilespmem:$0x15000] =	vst v63  }
0x47: {  	s31 =	sadd.s32 $0xFFFFFF80, s20  }
0x48: {  	[tilespmem:s15], [sflag:$0x1] =	stream.indirect.gather [hbm4b:s3+s12], $0x80, s31, s12, $0xb8;
	[tilespmem:$0x15000] =	vst v63  }
0x49: {  	_ = 	snop  }
0x4a: {  	[tilespmem:s16], [sflag:$0x1] =	stream.indirect.gather [hbm4b:s3+s12], $0x80, s20, s12, $0xb8;
	[tilespmem:$0x15000] =	vst v63  }
0x4b: {  	_ =	swait.ge [sflag:s17], $0x4000  }
0x4c: {  	[sflag:s17] =	ssyncset.done $0x0  }
0x4d: {  	[sflag:s17] =	ssyncadd.s32 $0xFFFFC000  }
0x4e: {  	_ =	swait.ge [sflag:s17], $0x4000  }
0x4f: {  	[sflag:s17] =	ssyncset.done $0x0  }
0x50: {  	[sflag:s17] =	ssyncadd.s32 $0xFFFFC000  }
0x51: {  	_ =	swait.ge [sflag:s17], $0x4000  }
0x52: {  	[sflag:s17] =	ssyncset.done $0x0  }
0x53: {  	[sflag:s17] =	ssyncadd.s32 $0xFFFFC000  }
0x54: {  	_ =	swait.ge [sflag:s17], $0x4000  }
0x55: {  	p1 =	por $0x1, $0x1;
	[sflag:s17] =	ssyncset.done $0x0  }
.Ltmp1:
0x56: {  	s19 =	sadd.s32 s19, s8;
	[sflag:s17] =	ssyncadd.s32 $0xFFFFC000;
	(pc) =	sbr.rel @!p1 .LBB2_8-.Ltmp1, $4  }
0x57: {  	[hbm4b:s19+s21] =	stream.linear.scatter [tilespmem:s13], [sflag:$0x2], $0x10000, $0x38;
	[tilespmem:$0x15000] =	vst v63  }
0x58: {  	_ =	swait.ge [sflag:s10], $0x10000  }
0x59: {  	p0 =	por $0x0, $0x0;
	[sflag:s10] =	ssyncset.done $0x0  }
0x5a: {  	s20 =	simm.s32 $0x2980;
	s19 =	simm.s32 $0x2000;
	[sflag:s10] =	ssyncadd.s32 $0xFFFF0000  }
0x5b: {  	s21 =	simm.s32 $0x2800  }
0x5c: {  	[tilespmem:s13], [sflag:$0x1] =	stream.indirect.gather [hbm4b:s4+s12], $0x80, s21, s12, $0xb8;
	[tilespmem:$0x15000] =	vst v63  }
0x5d: {  	s29 =	simm.s32 $0x2880  }
0x5e: {  	[tilespmem:s14], [sflag:$0x1] =	stream.indirect.gather [hbm4b:s4+s12], $0x80, s29, s12, $0xb8;
	[tilespmem:$0x15000] =	vst v63  }
0x5f: {  	s30 =	simm.s32 $0x2900  }
0x60: {  	[tilespmem:s15], [sflag:$0x1] =	stream.indirect.gather [hbm4b:s4+s12], $0x80, s30, s12, $0xb8;
	[tilespmem:$0x15000] =	vst v63  }
0x61: {  	_ = 	snop  }
0x62: {  	[tilespmem:s16], [sflag:$0x1] =	stream.indirect.gather [hbm4b:s4+s12], $0x80, s20, s12, $0xb8;
	[tilespmem:$0x15000] =	vst v63  }
0x63: {  	_ =	swait.ge [sflag:s17], $0x4000  }
0x64: {  	[sflag:s17] =	ssyncset.done $0x0  }
0x65: {  	[sflag:s17] =	ssyncadd.s32 $0xFFFFC000  }
0x66: {  	_ =	swait.ge [sflag:s17], $0x4000  }
0x67: {  	[sflag:s17] =	ssyncset.done $0x0  }
0x68: {  	[sflag:s17] =	ssyncadd.s32 $0xFFFFC000  }
0x69: {  	_ =	swait.ge [sflag:s17], $0x4000  }
0x6a: {  	[sflag:s17] =	ssyncset.done $0x0  }
0x6b: {  	[sflag:s17] =	ssyncadd.s32 $0xFFFFC000  }
0x6c: {  	p1 =	por $0x1, $0x1;
	_ =	swait.ge [sflag:s17], $0x4000  }
.Ltmp2:
0x6d: {  	[sflag:s17] =	ssyncset.done $0x0;
	(pc) =	sbr.rel @!p1 .LBB2_5-.Ltmp2, $4  }
0x6e: {  	s31 =	sadd.s32 $0x0, s9;
	[sflag:s17] =	ssyncadd.s32 $0xFFFFC000  }
0x6f: {  	[hbm4b:s31+s2] =	stream.linear.scatter [tilespmem:s13], [sflag:$0x2], $0x10000, $0x38;
	[tilespmem:$0x15000] =	vst v63  }
0x70: {  	p0 =	por $0x1, $0x1;
	_ =	swait.ge [sflag:s10], $0x10000  }
0x71: {  	s21 =	simm.s32 $0x4000;
	s20 =	simm.s32 $0x2B80;
	[sflag:s10] =	ssyncset.done $0x0  }
.LBB2_6:
0x72: {  	p1 =	sne.s32 s21, $0x26000;
	s22 =	sadd.s32 $0xFFFFFE80, s20;
	[sflag:s10] =	ssyncadd.s32 $0xFFFF0000  }
0x73: {  	[tilespmem:s13], [sflag:$0x1] =	stream.indirect.gather [hbm4b:s4+s12], $0x80, s22, s12, $0xb8;
	[tilespmem:$0x15000] =	vst v63  }
0x74: {  	s23 =	smov.u32 s21;
	s21 =	sadd.s32 $0x2000, s21;
	s22 =	sadd.s32 $0xFFFFFF00, s20  }
0x75: {  	[tilespmem:s14], [sflag:$0x1] =	stream.indirect.gather [hbm4b:s4+s12], $0x80, s22, s12, $0xb8;
	[tilespmem:$0x15000] =	vst v63  }
0x76: {  	s22 =	sadd.s32 $0xFFFFFF80, s20  }
0x77: {  	[tilespmem:s15], [sflag:$0x1] =	stream.indirect.gather [hbm4b:s4+s12], $0x80, s22, s12, $0xb8;
	[tilespmem:$0x15000] =	vst v63  }
0x78: {  	_ = 	snop  }
0x79: {  	[tilespmem:s16], [sflag:$0x1] =	stream.indirect.gather [hbm4b:s4+s12], $0x80, s20, s12, $0xb8;
	[tilespmem:$0x15000] =	vst v63  }
0x7a: {  	_ =	swait.ge [sflag:s17], $0x4000  }
0x7b: {  	[sflag:s17] =	ssyncset.done $0x0  }
0x7c: {  	[sflag:s17] =	ssyncadd.s32 $0xFFFFC000  }
0x7d: {  	_ =	swait.ge [sflag:s17], $0x4000  }
0x7e: {  	[sflag:s17] =	ssyncset.done $0x0  }
0x7f: {  	[sflag:s17] =	ssyncadd.s32 $0xFFFFC000  }
0x80: {  	_ =	swait.ge [sflag:s17], $0x4000  }
0x81: {  	[sflag:s17] =	ssyncset.done $0x0  }
0x82: {  	[sflag:s17] =	ssyncadd.s32 $0xFFFFC000  }
0x83: {  	_ =	swait.ge [sflag:s17], $0x4000  }
.Ltmp3:
0x84: {  	[sflag:s17] =	ssyncset.done $0x0;
	(pc) =	sbr.rel @p1 .LBB2_6-.Ltmp3, $4  }
0x85: {  	s22 =	sadd.s32 s19, s9;
	s19 =	smov.u32 s23;
	[sflag:s17] =	ssyncadd.s32 $0xFFFFC000  }
0x86: {  	[hbm4b:s22+s2] =	stream.linear.scatter [tilespmem:s13], [sflag:$0x2], $0x10000, $0x38;
	[tilespmem:$0x15000] =	vst v63  }
0x87: {  	_ =	swait.ge [sflag:s10], $0x10000  }
0x88: {  	s20 =	sadd.s32 $0x200, s20;
	[sflag:s10] =	ssyncset.done $0x0  }
0x89: {  	s21 =	smov.u32 s19  }
.LBB2_8:
0x8a: {  	s19 =	sadd.s32 $0xFFFFFE80, s20;
	[sflag:s10] =	ssyncadd.s32 @p0 $0xFFFF0000  }
0x8b: {  	[tilespmem:s13], [sflag:$0x1] =	stream.indirect.gather [hbm4b:s4+s12], $0x80, s19, s12, $0xb8;
	[tilespmem:$0x15000] =	vst v63  }
0x8c: {  	s29 =	sadd.s32 $0xFFFFFF00, s20  }
0x8d: {  	[tilespmem:s14], [sflag:$0x1] =	stream.indirect.gather [hbm4b:s4+s12], $0x80, s29, s12, $0xb8;
	[tilespmem:$0x15000] =	vst v63  }
0x8e: {  	s30 =	sadd.s32 $0xFFFFFF80, s20  }
0x8f: {  	[tilespmem:s15], [sflag:$0x1] =	stream.indirect.gather [hbm4b:s4+s12], $0x80, s30, s12, $0xb8;
	[tilespmem:$0x15000] =	vst v63  }
0x90: {  	_ = 	snop  }
0x91: {  	[tilespmem:s16], [sflag:$0x1] =	stream.indirect.gather [hbm4b:s4+s12], $0x80, s20, s12, $0xb8;
	[tilespmem:$0x15000] =	vst v63  }
0x92: {  	_ =	swait.ge [sflag:s17], $0x4000  }
0x93: {  	[sflag:s17] =	ssyncset.done $0x0  }
0x94: {  	[sflag:s17] =	ssyncadd.s32 $0xFFFFC000  }
0x95: {  	_ =	swait.ge [sflag:s17], $0x4000  }
0x96: {  	[sflag:s17] =	ssyncset.done $0x0  }
0x97: {  	[sflag:s17] =	ssyncadd.s32 $0xFFFFC000  }
0x98: {  	_ =	swait.ge [sflag:s17], $0x4000  }
0x99: {  	[sflag:s17] =	ssyncset.done $0x0  }
0x9a: {  	[sflag:s17] =	ssyncadd.s32 $0xFFFFC000  }
0x9b: {  	_ =	swait.ge [sflag:s17], $0x4000  }
0x9c: {  	s18 =	sadd.s32 $0x1, s18;
	[sflag:s17] =	ssyncset.done $0x0  }
0x9d: {  	s31 =	sadd.s32 s21, s9;
	p0 =	sne.s32 s18, s7;
	[sflag:s17] =	ssyncadd.s32 $0xFFFFC000  }
0x9e: {  	[hbm4b:s31+s2] =	stream.linear.scatter [tilespmem:s13], [sflag:$0x2], $0x10000, $0x38;
	[tilespmem:$0x15000] =	vst v63  }
.Ltmp4:
0x9f: {  	_ = 	snop;
	(pc) =	sbr.rel @p0 .LBB2_1-.Ltmp4, $4  }
.Ltmp5:
0xa0: {  	_ = 	snop;
	(pc) =	sbr.rel @!p0 .LBB2_9-.Ltmp5, $4  }
0xa1: {  	_ =	swait.ge [sflag:s10], $0x10000  }
0xa2: {  	[sflag:s10] =	ssyncset.done $0x0  }
0xa3: {  	[sflag:s10] =	ssyncadd.s32 $0xFFFF0000  }
0xa4: {  	_ = 	snop  }
.LBB2_5:
.Ltmp6:
0xa5: {  	(pc) =	sbr.rel .LBB2_8-.Ltmp6, $2  }
0xa6: {  	_ =	sdelay $0x2  }
0xa7: {  	s21 =	simm.s32 $0x2000  }
.LBB2_9:
0xa8: {  	_ =	sfence.sel $0x180000  }
0xa9: {  	[bflag:$0x0] =	sbarrier.arrive $0xFFFF  }
0xaa: {  	p0 =	sne.s32 s0, $0x0;
	_ =	strace $0x90000047  }
0xab: {  	s0 =	sadd.s32 @!p0 $0x100000, s1;
	[bflag:$0x2] =	sbarrier.arrive $0xFFFF  }
0xac: {  	[sflag:s0] =	ssyncadd.tile.s32 @!p0 $0x1;
	_ =	shalt  }
.Lfunc_end2:
_tile_overlayer_lowered:
.L_overlay_start_2:
0xad: {  	(tag) =	ssettag $0x2  }
0xae: {  	s0 =	rddreg [dreg:$0x0];
	s2 =	stileid.u32  }
0xaf: {  	s1 =	rddreg [dreg:$0x1];
	p0 =	sne.s32 s2, $0x0  }
0xb0: {  	s3 =	rddreg [dreg:$0x2];
	[bflag:$0x3] =	sbarrier.arrive $0xFFFF;
	s2 =	simm.s32 @!p0 $0x1C02  }
0xb1: {  	[timem:s3], [sflag:s2] =	dma.local @!p0 [hbm:s0], s1  }
0xb2: {  	s0 =	simm.s32 @!p0 $0x2  }
0xb3: {  	_ =	swait.ge @!p0 [sflag:s0], s1  }
0xb4: {  	s1 =	ssub.s32 @!p0 $0x0, s1;
	[sflag:s0] =	ssyncset.done @!p0 $0x0  }
0xb5: {  	[sflag:s0] =	ssyncadd.s32 @!p0 s1  }
0xb6: {  	[bflag:$0x3] =	sbarrier.arrive $0xFFFF  }
0xb7: {  	_ =	shalt  }

</sc_bundles>
